<compile_context>
chip_gen: v7x
topology: tpu7x:2x2x1
jax: 0.10.2.dev20260603
libtpu: 0.0.44.dev20260713+nightly
codegen_flags: <defaults>
</compile_context>

<pallas_src>
import functools

import jax
import jax.numpy as jnp
from jax import lax
from jax.experimental import pallas as pl
from jax.experimental.pallas import tpu as pltpu
from jax.experimental.pallas import tpu_sc as plsc

_NUM_LEVELS = 4
_K = 8192
_D = 256
_BETA = 0.25
_N_TOK = 2304
_T = 576
_NB = _N_TOK // _T


def _rotation_residual(res, zq):
    eps = 1e-6
    rn = jnp.sqrt(jnp.sum(res * res, axis=1, keepdims=True))
    u = res / jnp.maximum(rn, eps)
    qn = jnp.sqrt(jnp.sum(zq * zq, axis=1, keepdims=True))
    q = zq / jnp.maximum(qn, eps)
    wv = u + q
    wn = jnp.sqrt(jnp.sum(wv * wv, axis=1, keepdims=True))
    w = wv / jnp.maximum(wn, eps)
    xw = jnp.sum(res * w, axis=1, keepdims=True)
    xu = jnp.sum(res * u, axis=1, keepdims=True)
    rot = res - 2.0 * xw * w + 2.0 * xu * q
    return res - rot


def _argmin_block(res, cb, c_sq):
    dot = lax.dot_general(res, cb, (((1,), (1,)), ((), ())))
    d = c_sq - 2.0 * dot
    return jnp.argmin(d, axis=1).reshape(_T, 1)


def _level0_body(z_ref, cb_ref, csq_ref, idxg_out):
    res = z_ref[...]
    idx = _argmin_block(res, cb_ref[0], csq_ref[0])
    idxg_out[...] = idx


def _make_tail_level_body(level):
    def body(res_ref, zq_ref, cb_ref, csq_ref,
             idxg_out, res_out, sse_out, sse_s):
        nb = pl.program_id(0)

        @pl.when(nb == 0)
        def _():
            sse_s[...] = jnp.zeros((1, 1), jnp.float32)

        prev = res_ref[...]
        zq = zq_ref[...]
        sse_s[...] += jnp.sum((zq - prev) ** 2,
                              keepdims=True).reshape(1, 1)
        res = _rotation_residual(prev, zq)
        res_out[...] = res
        idx = _argmin_block(res, cb_ref[0], csq_ref[0])
        idxg_out[...] = idx + level * _K

        @pl.when(nb == _NB - 1)
        def _():
            sse_out[...] = sse_s[...]

    return body


def _final_body(res3_ref, zq0_ref, zq1_ref, zq2_ref, zq3_ref,
                cnt_ref,
                s0_ref, s1_ref, s2_ref,
                zq_out, loss_out, cbl_out, coml_out, perp_out, sse_s):
    nb = pl.program_id(0)

    @pl.when(nb == 0)
    def _():
        sse_s[...] = jnp.zeros((1, 1), jnp.float32)

    zq3 = zq3_ref[...]
    res3 = res3_ref[...]
    sse_s[...] += jnp.sum((zq3 - res3) ** 2, keepdims=True).reshape(1, 1)
    zq_out[...] = ((zq0_ref[...] + zq1_ref[...]) + zq2_ref[...]) + zq3

    @pl.when(nb == _NB - 1)
    def _():
        n_el = jnp.float32(_N_TOK * _D)
        total = s0_ref[...] + s1_ref[...] + s2_ref[...] + sse_s[...]
        cbl = total / n_el
        counts = jnp.sum(cnt_ref[...], axis=0, keepdims=True)
        probs = counts / jnp.float32(_N_TOK * _NUM_LEVELS)
        safe = jnp.where(probs > 0, probs, 1.0)
        ent = -jnp.sum(jnp.where(probs > 0, probs * jnp.log(safe), 0.0),
                       keepdims=True).reshape(1, 1)
        loss_out[...] = cbl * (1.0 + _BETA)
        cbl_out[...] = cbl
        coml_out[...] = cbl
        perp_out[...] = jnp.exp(ent)


_tok_spec = pl.BlockSpec((_T, _D), lambda nb: (nb, 0))
_idx_spec = pl.BlockSpec((_T, 1), lambda nb: (nb, 0))
_cb_spec = lambda level: pl.BlockSpec((1, _K, _D), lambda nb: (level, 0, 0))
_csq_spec = lambda level: pl.BlockSpec((1, 1, _K), lambda nb: (level, 0, 0))
_scal_spec = pl.BlockSpec((1, 1), lambda nb: (0, 0))
_params = pltpu.CompilerParams(dimension_semantics=("arbitrary",))

_IDX_SHAPE = jax.ShapeDtypeStruct((_N_TOK, 1), jnp.int32)
_TOK_SHAPE = jax.ShapeDtypeStruct((_N_TOK, _D), jnp.float32)
_SCAL_SHAPE = jax.ShapeDtypeStruct((1, 1), jnp.float32)


_NC = 2
_NS = 16
_NW = _NC * _NS
_BPW = _N_TOK // _NW
@functools.cache
def _sc_gather_fn():
    mesh = plsc.VectorSubcoreMesh(core_axis_name="c", subcore_axis_name="s")

    @functools.partial(
        pl.kernel, mesh=mesh,
        out_type=jax.ShapeDtypeStruct((_N_TOK, _D), jnp.float32),
        scratch_types=[
            pltpu.VMEM((_BPW,), jnp.int32),
            pltpu.VMEM((_BPW, _D), jnp.float32),
            pltpu.SemaphoreType.DMA,
        ],
    )
    def gather(table_hbm, idx_hbm, out_hbm, idx_v, rows_v, sem):
        wid = lax.axis_index("s") * _NC + lax.axis_index("c")
        base = wid * _BPW
        pltpu.sync_copy(idx_hbm.at[pl.ds(base, _BPW)], idx_v)
        pltpu.async_copy(table_hbm.at[idx_v], rows_v, sem).wait()
        pltpu.sync_copy(rows_v, out_hbm.at[pl.ds(base, _BPW)])

    return gather


def _sc_gather(table, idx):
    return _sc_gather_fn()(table, idx)


_NBINS = _NUM_LEVELS * _K
_SLICE = _NBINS // _NS


@functools.cache
def _sc_bincount_fn():
    mesh = plsc.VectorSubcoreMesh(core_axis_name="c", subcore_axis_name="s")

    @functools.partial(
        pl.kernel, mesh=mesh,
        out_type=jax.ShapeDtypeStruct((_NC, _NBINS), jnp.float32),
        scratch_types=[
            pltpu.VMEM((_NUM_LEVELS, _BPW), jnp.int32),
            pltpu.VMEM((80,), jnp.float32),
            pltpu.VMEM((_SLICE,), jnp.float32),
            pltpu.VMEM_SHARED((_NBINS,), jnp.float32),
            pltpu.SemaphoreType.DMA,
        ],
    )
    def bincount(i0, i1, i2, i3, out_hbm, idx_v, ones_v, zsl_v, hist_sh,
                 sem):
        c = lax.axis_index("c")
        s = lax.axis_index("s")
        wid = s * _NC + c
        base = wid * _BPW
        for j, ih in enumerate((i0, i1, i2, i3)):
            pltpu.sync_copy(ih.at[pl.ds(base, _BPW)], idx_v.at[j])

        def fill_ones(i, _):
            ones_v[pl.ds(i * 16, 16)] = jnp.ones((16,), jnp.float32)
            return 0

        def fill_zero(i, _):
            zsl_v[pl.ds(i * 16, 16)] = jnp.zeros((16,), jnp.float32)
            return 0

        lax.fori_loop(0, 80 // 16, fill_ones, 0)
        lax.fori_loop(0, _SLICE // 16, fill_zero, 0)
        pltpu.sync_copy(zsl_v, hist_sh.at[pl.ds(s * _SLICE, _SLICE)])
        plsc.subcore_barrier()
        for j in range(_NUM_LEVELS):
            pltpu.sync_copy(ones_v.at[pl.ds(0, _BPW)],
                            hist_sh.at[idx_v.at[j]], add=True)
        plsc.subcore_barrier()

        @pl.when(s == 0)
        def _():
            pltpu.sync_copy(hist_sh, out_hbm.at[c])

    return bincount


def _sc_bincount(i0, i1, i2, i3):
    return _sc_bincount_fn()(i0, i1, i2, i3)


def kernel(z, codebooks):
    zf = z.reshape(_N_TOK, _D)
    cb_all = codebooks.reshape(_NUM_LEVELS * _K, _D)
    csq = jnp.sum(codebooks * codebooks, axis=2).reshape(_NUM_LEVELS, 1, _K)

    idxg0 = pl.pallas_call(
        _level0_body,
        grid=(_NB,),
        in_specs=[_tok_spec, _cb_spec(0), _csq_spec(0)],
        out_specs=_idx_spec,
        out_shape=_IDX_SHAPE,
        compiler_params=_params,
    )(zf, codebooks, csq)

    idxgs = [idxg0]
    sses = []
    zqs = []
    res = zf
    ress = []
    for level in range(1, _NUM_LEVELS):
        zq = _sc_gather(cb_all, idxgs[-1].reshape(_N_TOK))
        zqs.append(zq)
        idxg, res, sse = pl.pallas_call(
            _make_tail_level_body(level),
            grid=(_NB,),
            in_specs=[_tok_spec, _tok_spec, _cb_spec(level),
                      _csq_spec(level)],
            out_specs=(_idx_spec, _tok_spec, _scal_spec),
            out_shape=(_IDX_SHAPE, _TOK_SHAPE, _SCAL_SHAPE),
            scratch_shapes=[pltpu.VMEM((1, 1), jnp.float32)],
            compiler_params=_params,
        )(res, zq, codebooks, csq)
        idxgs.append(idxg)
        sses.append(sse)
        ress.append(res)

    zqs.append(_sc_gather(cb_all, idxgs[-1].reshape(_N_TOK)))
    hist2 = _sc_bincount(*[ig.reshape(_N_TOK) for ig in idxgs])
    hist = hist2.reshape(_NC * _NUM_LEVELS, _K)

    zq_flat, loss, cbl, coml, perp = pl.pallas_call(
        _final_body,
        grid=(_NB,),
        in_specs=[_tok_spec] + [_tok_spec] * 4
                 + [pl.BlockSpec((_NC * _NUM_LEVELS, _K),
                                 lambda nb: (0, 0))]
                 + [_scal_spec] * 3,
        out_specs=(_tok_spec, _scal_spec, _scal_spec, _scal_spec,
                   _scal_spec),
        out_shape=(_TOK_SHAPE, _SCAL_SHAPE, _SCAL_SHAPE, _SCAL_SHAPE,
                   _SCAL_SHAPE),
        scratch_shapes=[pltpu.VMEM((1, 1), jnp.float32)],
        compiler_params=_params,
    )(ress[-1], *zqs, hist, *sses)

    z_q = zq_flat.reshape(z.shape)
    offs = jnp.arange(_NUM_LEVELS, dtype=jnp.int32) * _K
    indices = (jnp.concatenate(idxgs, axis=1) - offs[None, :]).reshape(
        z.shape[0], z.shape[1], _NUM_LEVELS)
    return (z_q, indices, loss.reshape(()), cbl.reshape(()),
            coml.reshape(()), perp.reshape(()))

# --- scband reference (transcript-rebuilt; emitter-appended) ---
"""Pipeline reference for scband-residual-vector-quantizer-14834817040989 (READ-ONLY COPY).

The authoritative reference and input builder live on the scoring server;
editing this copy changes nothing except your own understanding.
"""

import jax, jax.numpy as jnp
import numpy as np

NUM_LEVELS = 4
CODEBOOK_SIZE = 8192
EMBEDDING_DIM = 256
BETA = 0.25


def _normalize(x, eps=1e-06):
    n = jnp.sqrt(jnp.sum(x * x, axis=-1, keepdims=True))
    return x / jnp.maximum(n, eps)


def _rotation_trick(x, quantized):
    u = _normalize(x)
    q = _normalize(quantized)
    w = _normalize(u + q)
    wd = jax.lax.stop_gradient(w)
    ud = jax.lax.stop_gradient(u)
    qd = jax.lax.stop_gradient(q)
    xw = jnp.sum(x * wd, axis=-1, keepdims=True)
    xu = jnp.sum(x * ud, axis=-1, keepdims=True)
    return x - 2.0 * xw * wd + 2.0 * xu * qd


def setup_inputs(seed: int = 0) -> dict:
    key = jax.random.key(seed)
    kz, kc = jax.random.split(key)
    z = jax.random.normal(kz, (4, 576, 256), dtype=jnp.float32)
    cbs = []
    for i in range(NUM_LEVELS):
        cbs.append(jax.random.normal(jax.random.fold_in(kc, i), (CODEBOOK_SIZE, EMBEDDING_DIM), dtype=jnp.float32) * (1.0 / (2 ** i)))
    codebooks = jnp.stack(cbs, axis=0)
    return {"z": z, "codebooks": codebooks}


def reference(z, codebooks):
    # Faithful translation of ResidualVectorQuantizer.forward in training mode
    residual = z
    quantized_sum = jnp.zeros_like(z)
    indices_list = []
    total_codebook_loss = jnp.float32(0.0)
    total_commitment_loss = jnp.float32(0.0)
    for l in range(NUM_LEVELS):
        c = codebooks[l]
        # _compute_distances (fp32)
        x32 = residual.astype(jnp.float32)
        c32 = c.astype(jnp.float32)
        dot_product = x32 @ c32.T
        c_sq = jnp.sum(c32 * c32, axis=1)
        dists = c_sq - 2.0 * dot_product
        min_idx = jnp.argmin(dists, axis=-1)
        indices_list.append(min_idx)
        z_q_local = jnp.take(c, min_idx, axis=0)
        total_codebook_loss = total_codebook_loss + jnp.mean((z_q_local - jax.lax.stop_gradient(residual)) ** 2)
        total_commitment_loss = total_commitment_loss + jnp.mean((jax.lax.stop_gradient(z_q_local) - residual) ** 2)
        z_q_st = _rotation_trick(residual, z_q_local)
        residual = residual - z_q_st
        quantized_sum = quantized_sum + z_q_local
    indices = jnp.stack(indices_list, axis=-1)
    loss = total_codebook_loss + BETA * total_commitment_loss
    # perplexity (codebook utilization entropy)
    flat = indices.reshape(-1)
    counts = jnp.bincount(flat, length=CODEBOOK_SIZE)
    probs = counts.astype(jnp.float32) / flat.size
    safe = jnp.where(probs > 0, probs, 1.0)
    entropy = -jnp.sum(jnp.where(probs > 0, probs * jnp.log(safe), 0.0))
    perplexity = jnp.exp(entropy)
    z_q = z + jax.lax.stop_gradient(quantized_sum - z)
    return (z_q, indices, loss, total_codebook_loss, total_commitment_loss, perplexity)

if __name__ == "__main__":
    import jax
    _d = setup_inputs()
    print(jax.jit(kernel)(*tuple(_d.values())))

</pallas_src>

<mosaic_0001>
#map = affine_map<(d0, d1) -> (0, 0)>
#map1 = affine_map<(d0, d1) -> (0)>
module attributes {stable_mosaic.version = 14 : i64} {
  func.func @gather(%arg0: i32, %arg1: i32, %arg2: memref<32768x256xf32, #tpu.memory_space<hbm>>, %arg3: memref<2304xi32, #tpu.memory_space<hbm>>, %arg4: memref<2304x256xf32, #tpu.memory_space<hbm>>, %arg5: memref<72xi32, #tpu.memory_space<vmem>>, %arg6: memref<72x256xf32, #tpu.memory_space<vmem>>, %arg7: memref<!tpu.dma_semaphore, #tpu.memory_space<semaphore_mem>>) attributes {dimension_semantics = [#tpu.dimension_semantics<core_parallel>, #tpu.dimension_semantics<subcore_parallel>], iteration_bounds = array<i64: 2, 16>, scalar_prefetch = 0 : i64, scratch_operands = 3 : i64, tpu.core_type = #tpu.core_type<sc_vector_subcore>, window_params = [{transform_indices = #map}, {transform_indices = #map1}, {transform_indices = #map}]} {
    %mul3A = arith.constant 2 : i32
    %mul3A_0 = arith.muli %arg1, %mul3A : i32
    %add3A = arith.addi %mul3A_0, %arg0 : i32
    %mul3A_1 = arith.constant 72 : i32
    %mul3A_2 = arith.muli %add3A, %mul3A_1 : i32
    "tpu.region"() ({
      %run_scoped3A = tpu.sem_alloc : memref<!tpu.dma_semaphore, #tpu.memory_space<semaphore_mem>>
      %dma_start3A_7 = tpu.memref_slice %arg3[%mul3A_2] : memref<2304xi32, #tpu.memory_space<hbm>> -> memref<72xi32, #tpu.memory_space<hbm>>
      %dma_start3A_8 = tpu.memref_slice %arg3[%mul3A_2] : memref<2304xi32, #tpu.memory_space<hbm>> -> memref<72xi32, #tpu.memory_space<hbm>>
      tpu.enqueue_dma source(%dma_start3A_8 : memref<72xi32, #tpu.memory_space<hbm>>) target(%arg5 : memref<72xi32, #tpu.memory_space<vmem>>) target_semaphore(%run_scoped3A : memref<!tpu.dma_semaphore, #tpu.memory_space<semaphore_mem>>)
      %dma_wait3A_9 = tpu.memref_slice %arg3[%mul3A_2] : memref<2304xi32, #tpu.memory_space<hbm>> -> memref<72xi32, #tpu.memory_space<hbm>>
      %dma_wait3A_10 = tpu.memref_slice %arg3[%mul3A_2] : memref<2304xi32, #tpu.memory_space<hbm>> -> memref<72xi32, #tpu.memory_space<hbm>>
      tpu.wait_dma2 semaphore(%run_scoped3A : memref<!tpu.dma_semaphore, #tpu.memory_space<semaphore_mem>>) src(%dma_wait3A_10 : memref<72xi32, #tpu.memory_space<hbm>>) dst(%arg5 : memref<72xi32, #tpu.memory_space<vmem>>)
      tpu.yield
    }) : () -> ()
    %dma_start3A = arith.constant 0 : i32
    %dma_start3A_3 = arith.constant 0 : i32
    %dma_start3A_4 = tpu.memref_slice %arg2[%dma_start3A, %dma_start3A_3] : memref<32768x256xf32, #tpu.memory_space<hbm>> -> memref<32768x256xf32, #tpu.memory_space<hbm>>
    tpu.enqueue_indirect_dma source(%dma_start3A_4 : memref<32768x256xf32, #tpu.memory_space<hbm>>) target(%arg6 : memref<72x256xf32, #tpu.memory_space<vmem>>) offsets(%arg5 : memref<72xi32, #tpu.memory_space<vmem>>) semaphore(%arg7 : memref<!tpu.dma_semaphore, #tpu.memory_space<semaphore_mem>>)
    %dma_wait3A = arith.constant 0 : i32
    %dma_wait3A_5 = arith.constant 0 : i32
    %dma_wait3A_6 = tpu.memref_slice %arg2[%dma_wait3A, %dma_wait3A_5] : memref<32768x256xf32, #tpu.memory_space<hbm>> -> memref<32768x256xf32, #tpu.memory_space<hbm>>
    tpu.wait_indirect_dma semaphore(%arg7 : memref<!tpu.dma_semaphore, #tpu.memory_space<semaphore_mem>>) src(%dma_wait3A_6 : memref<32768x256xf32, #tpu.memory_space<hbm>>) dst(%arg6 : memref<72x256xf32, #tpu.memory_space<vmem>>)
    "tpu.region"() ({
      %run_scoped3A = tpu.sem_alloc : memref<!tpu.dma_semaphore, #tpu.memory_space<semaphore_mem>>
      %dma_start3A_7 = arith.constant 0 : i32
      %dma_start3A_8 = tpu.memref_slice %arg4[%mul3A_2, %dma_start3A_7] : memref<2304x256xf32, #tpu.memory_space<hbm>> -> memref<72x256xf32, #tpu.memory_space<hbm>>
      %dma_start3A_9 = arith.constant 0 : i32
      %dma_start3A_10 = tpu.memref_slice %arg4[%mul3A_2, %dma_start3A_9] : memref<2304x256xf32, #tpu.memory_space<hbm>> -> memref<72x256xf32, #tpu.memory_space<hbm>>
      tpu.enqueue_dma source(%arg6 : memref<72x256xf32, #tpu.memory_space<vmem>>) target(%dma_start3A_10 : memref<72x256xf32, #tpu.memory_space<hbm>>) target_semaphore(%run_scoped3A : memref<!tpu.dma_semaphore, #tpu.memory_space<semaphore_mem>>)
      %dma_wait3A_11 = arith.constant 0 : i32
      %dma_wait3A_12 = tpu.memref_slice %arg4[%mul3A_2, %dma_wait3A_11] : memref<2304x256xf32, #tpu.memory_space<hbm>> -> memref<72x256xf32, #tpu.memory_space<hbm>>
      %dma_wait3A_13 = arith.constant 0 : i32
      %dma_wait3A_14 = tpu.memref_slice %arg4[%mul3A_2, %dma_wait3A_13] : memref<2304x256xf32, #tpu.memory_space<hbm>> -> memref<72x256xf32, #tpu.memory_space<hbm>>
      tpu.wait_dma2 semaphore(%run_scoped3A : memref<!tpu.dma_semaphore, #tpu.memory_space<semaphore_mem>>) src(%arg6 : memref<72x256xf32, #tpu.memory_space<vmem>>) dst(%dma_wait3A_14 : memref<72x256xf32, #tpu.memory_space<hbm>>)
      tpu.yield
    }) : () -> ()
    return
  }
}

#map = affine_map<(d0, d1) -> (0)>
#map1 = affine_map<(d0, d1) -> (0, 0)>
module attributes {stable_mosaic.version = 14 : i64} {
  func.func @bincount(%arg0: i32, %arg1: i32, %arg2: memref<2304xi32, #tpu.memory_space<hbm>>, %arg3: memref<2304xi32, #tpu.memory_space<hbm>>, %arg4: memref<2304xi32, #tpu.memory_space<hbm>>, %arg5: memref<2304xi32, #tpu.memory_space<hbm>>, %arg6: memref<2x32768xf32, #tpu.memory_space<hbm>>, %arg7: memref<4x72xi32, #tpu.memory_space<vmem>>, %arg8: memref<80xf32, #tpu.memory_space<vmem>>, %arg9: memref<2048xf32, #tpu.memory_space<vmem>>, %arg10: memref<32768xf32, #tpu.memory_space<vmem_shared>>, %arg11: memref<!tpu.dma_semaphore, #tpu.memory_space<semaphore_mem>>) attributes {dimension_semantics = [#tpu.dimension_semantics<core_parallel>, #tpu.dimension_semantics<subcore_parallel>], iteration_bounds = array<i64: 2, 16>, scalar_prefetch = 0 : i64, scratch_operands = 5 : i64, tpu.core_type = #tpu.core_type<sc_vector_subcore>, window_params = [{transform_indices = #map}, {transform_indices = #map}, {transform_indices = #map}, {transform_indices = #map}, {transform_indices = #map1}]} {
    %mul3A = arith.constant 2 : i32
    %mul3A_0 = arith.muli %arg1, %mul3A : i32
    %add3A = arith.addi %mul3A_0, %arg0 : i32
    %mul3A_1 = arith.constant 72 : i32
    %mul3A_2 = arith.muli %add3A, %mul3A_1 : i32
    %run_scoped3A = arith.constant 0 : i32
    "tpu.region"() ({
      %run_scoped3A_28 = tpu.sem_alloc : memref<!tpu.dma_semaphore, #tpu.memory_space<semaphore_mem>>
      %dma_start3A = arith.constant 0 : i32
      %dma_start3A_29 = tpu.memref_slice %arg7[%run_scoped3A, %dma_start3A] : memref<4x72xi32, #tpu.memory_space<vmem>> -> memref<1x72xi32, #tpu.memory_space<vmem>>
      %dma_start3A_30 = tpu.memref_squeeze %dma_start3A_29 : memref<1x72xi32, #tpu.memory_space<vmem>> -> memref<72xi32, #tpu.memory_space<vmem>>
      %dma_start3A_31 = tpu.memref_slice %arg2[%mul3A_2] : memref<2304xi32, #tpu.memory_space<hbm>> -> memref<72xi32, #tpu.memory_space<hbm>>
      %dma_start3A_32 = arith.constant 0 : i32
      %dma_start3A_33 = tpu.memref_slice %arg7[%run_scoped3A, %dma_start3A_32] : memref<4x72xi32, #tpu.memory_space<vmem>> -> memref<1x72xi32, #tpu.memory_space<vmem>>
      %dma_start3A_34 = tpu.memref_squeeze %dma_start3A_33 : memref<1x72xi32, #tpu.memory_space<vmem>> -> memref<72xi32, #tpu.memory_space<vmem>>
      %dma_start3A_35 = tpu.memref_slice %arg2[%mul3A_2] : memref<2304xi32, #tpu.memory_space<hbm>> -> memref<72xi32, #tpu.memory_space<hbm>>
      tpu.enqueue_dma source(%dma_start3A_35 : memref<72xi32, #tpu.memory_space<hbm>>) target(%dma_start3A_34 : memref<72xi32, #tpu.memory_space<vmem>>) target_semaphore(%run_scoped3A_28 : memref<!tpu.dma_semaphore, #tpu.memory_space<semaphore_mem>>)
      %dma_wait3A = arith.constant 0 : i32
      %dma_wait3A_36 = tpu.memref_slice %arg7[%run_scoped3A, %dma_wait3A] : memref<4x72xi32, #tpu.memory_space<vmem>> -> memref<1x72xi32, #tpu.memory_space<vmem>>
      %dma_wait3A_37 = tpu.memref_squeeze %dma_wait3A_36 : memref<1x72xi32, #tpu.memory_space<vmem>> -> memref<72xi32, #tpu.memory_space<vmem>>
      %dma_wait3A_38 = tpu.memref_slice %arg2[%mul3A_2] : memref<2304xi32, #tpu.memory_space<hbm>> -> memref<72xi32, #tpu.memory_space<hbm>>
      %dma_wait3A_39 = arith.constant 0 : i32
      %dma_wait3A_40 = tpu.memref_slice %arg7[%run_scoped3A, %dma_wait3A_39] : memref<4x72xi32, #tpu.memory_space<vmem>> -> memref<1x72xi32, #tpu.memory_space<vmem>>
      %dma_wait3A_41 = tpu.memref_squeeze %dma_wait3A_40 : memref<1x72xi32, #tpu.memory_space<vmem>> -> memref<72xi32, #tpu.memory_space<vmem>>
      %dma_wait3A_42 = tpu.memref_slice %arg2[%mul3A_2] : memref<2304xi32, #tpu.memory_space<hbm>> -> memref<72xi32, #tpu.memory_space<hbm>>
      tpu.wait_dma2 semaphore(%run_scoped3A_28 : memref<!tpu.dma_semaphore, #tpu.memory_space<semaphore_mem>>) src(%dma_wait3A_42 : memref<72xi32, #tpu.memory_space<hbm>>) dst(%dma_wait3A_41 : memref<72xi32, #tpu.memory_space<vmem>>)
      tpu.yield
    }) : () -> ()
    %run_scoped3A_3 = arith.constant 1 : i32
    "tpu.region"() ({
      %run_scoped3A_28 = tpu.sem_alloc : memref<!tpu.dma_semaphore, #tpu.memory_space<semaphore_mem>>
      %dma_start3A = arith.constant 0 : i32
      %dma_start3A_29 = tpu.memref_slice %arg7[%run_scoped3A_3, %dma_start3A] : memref<4x72xi32, #tpu.memory_space<vmem>> -> memref<1x72xi32, #tpu.memory_space<vmem>>
      %dma_start3A_30 = tpu.memref_squeeze %dma_start3A_29 : memref<1x72xi32, #tpu.memory_space<vmem>> -> memref<72xi32, #tpu.memory_space<vmem>>
      %dma_start3A_31 = tpu.memref_slice %arg3[%mul3A_2] : memref<2304xi32, #tpu.memory_space<hbm>> -> memref<72xi32, #tpu.memory_space<hbm>>
      %dma_start3A_32 = arith.constant 0 : i32
      %dma_start3A_33 = tpu.memref_slice %arg7[%run_scoped3A_3, %dma_start3A_32] : memref<4x72xi32, #tpu.memory_space<vmem>> -> memref<1x72xi32, #tpu.memory_space<vmem>>
      %dma_start3A_34 = tpu.memref_squeeze %dma_start3A_33 : memref<1x72xi32, #tpu.memory_space<vmem>> -> memref<72xi32, #tpu.memory_space<vmem>>
      %dma_start3A_35 = tpu.memref_slice %arg3[%mul3A_2] : memref<2304xi32, #tpu.memory_space<hbm>> -> memref<72xi32, #tpu.memory_space<hbm>>
      tpu.enqueue_dma source(%dma_start3A_35 : memref<72xi32, #tpu.memory_space<hbm>>) target(%dma_start3A_34 : memref<72xi32, #tpu.memory_space<vmem>>) target_semaphore(%run_scoped3A_28 : memref<!tpu.dma_semaphore, #tpu.memory_space<semaphore_mem>>)
      %dma_wait3A = arith.constant 0 : i32
      %dma_wait3A_36 = tpu.memref_slice %arg7[%run_scoped3A_3, %dma_wait3A] : memref<4x72xi32, #tpu.memory_space<vmem>> -> memref<1x72xi32, #tpu.memory_space<vmem>>
      %dma_wait3A_37 = tpu.memref_squeeze %dma_wait3A_36 : memref<1x72xi32, #tpu.memory_space<vmem>> -> memref<72xi32, #tpu.memory_space<vmem>>
      %dma_wait3A_38 = tpu.memref_slice %arg3[%mul3A_2] : memref<2304xi32, #tpu.memory_space<hbm>> -> memref<72xi32, #tpu.memory_space<hbm>>
      %dma_wait3A_39 = arith.constant 0 : i32
      %dma_wait3A_40 = tpu.memref_slice %arg7[%run_scoped3A_3, %dma_wait3A_39] : memref<4x72xi32, #tpu.memory_space<vmem>> -> memref<1x72xi32, #tpu.memory_space<vmem>>
      %dma_wait3A_41 = tpu.memref_squeeze %dma_wait3A_40 : memref<1x72xi32, #tpu.memory_space<vmem>> -> memref<72xi32, #tpu.memory_space<vmem>>
      %dma_wait3A_42 = tpu.memref_slice %arg3[%mul3A_2] : memref<2304xi32, #tpu.memory_space<hbm>> -> memref<72xi32, #tpu.memory_space<hbm>>
      tpu.wait_dma2 semaphore(%run_scoped3A_28 : memref<!tpu.dma_semaphore, #tpu.memory_space<semaphore_mem>>) src(%dma_wait3A_42 : memref<72xi32, #tpu.memory_space<hbm>>) dst(%dma_wait3A_41 : memref<72xi32, #tpu.memory_space<vmem>>)
      tpu.yield
    }) : () -> ()
    %run_scoped3A_4 = arith.constant 2 : i32
    "tpu.region"() ({
      %run_scoped3A_28 = tpu.sem_alloc : memref<!tpu.dma_semaphore, #tpu.memory_space<semaphore_mem>>
      %dma_start3A = arith.constant 0 : i32
      %dma_start3A_29 = tpu.memref_slice %arg7[%run_scoped3A_4, %dma_start3A] : memref<4x72xi32, #tpu.memory_space<vmem>> -> memref<1x72xi32, #tpu.memory_space<vmem>>
      %dma_start3A_30 = tpu.memref_squeeze %dma_start3A_29 : memref<1x72xi32, #tpu.memory_space<vmem>> -> memref<72xi32, #tpu.memory_space<vmem>>
      %dma_start3A_31 = tpu.memref_slice %arg4[%mul3A_2] : memref<2304xi32, #tpu.memory_space<hbm>> -> memref<72xi32, #tpu.memory_space<hbm>>
      %dma_start3A_32 = arith.constant 0 : i32
      %dma_start3A_33 = tpu.memref_slice %arg7[%run_scoped3A_4, %dma_start3A_32] : memref<4x72xi32, #tpu.memory_space<vmem>> -> memref<1x72xi32, #tpu.memory_space<vmem>>
      %dma_start3A_34 = tpu.memref_squeeze %dma_start3A_33 : memref<1x72xi32, #tpu.memory_space<vmem>> -> memref<72xi32, #tpu.memory_space<vmem>>
      %dma_start3A_35 = tpu.memref_slice %arg4[%mul3A_2] : memref<2304xi32, #tpu.memory_space<hbm>> -> memref<72xi32, #tpu.memory_space<hbm>>
      tpu.enqueue_dma source(%dma_start3A_35 : memref<72xi32, #tpu.memory_space<hbm>>) target(%dma_start3A_34 : memref<72xi32, #tpu.memory_space<vmem>>) target_semaphore(%run_scoped3A_28 : memref<!tpu.dma_semaphore, #tpu.memory_space<semaphore_mem>>)
      %dma_wait3A = arith.constant 0 : i32
      %dma_wait3A_36 = tpu.memref_slice %arg7[%run_scoped3A_4, %dma_wait3A] : memref<4x72xi32, #tpu.memory_space<vmem>> -> memref<1x72xi32, #tpu.memory_space<vmem>>
      %dma_wait3A_37 = tpu.memref_squeeze %dma_wait3A_36 : memref<1x72xi32, #tpu.memory_space<vmem>> -> memref<72xi32, #tpu.memory_space<vmem>>
      %dma_wait3A_38 = tpu.memref_slice %arg4[%mul3A_2] : memref<2304xi32, #tpu.memory_space<hbm>> -> memref<72xi32, #tpu.memory_space<hbm>>
      %dma_wait3A_39 = arith.constant 0 : i32
      %dma_wait3A_40 = tpu.memref_slice %arg7[%run_scoped3A_4, %dma_wait3A_39] : memref<4x72xi32, #tpu.memory_space<vmem>> -> memref<1x72xi32, #tpu.memory_space<vmem>>
      %dma_wait3A_41 = tpu.memref_squeeze %dma_wait3A_40 : memref<1x72xi32, #tpu.memory_space<vmem>> -> memref<72xi32, #tpu.memory_space<vmem>>
      %dma_wait3A_42 = tpu.memref_slice %arg4[%mul3A_2] : memref<2304xi32, #tpu.memory_space<hbm>> -> memref<72xi32, #tpu.memory_space<hbm>>
      tpu.wait_dma2 semaphore(%run_scoped3A_28 : memref<!tpu.dma_semaphore, #tpu.memory_space<semaphore_mem>>) src(%dma_wait3A_42 : memref<72xi32, #tpu.memory_space<hbm>>) dst(%dma_wait3A_41 : memref<72xi32, #tpu.memory_space<vmem>>)
      tpu.yield
    }) : () -> ()
    %run_scoped3A_5 = arith.constant 3 : i32
    "tpu.region"() ({
      %run_scoped3A_28 = tpu.sem_alloc : memref<!tpu.dma_semaphore, #tpu.memory_space<semaphore_mem>>
      %dma_start3A = arith.constant 0 : i32
      %dma_start3A_29 = tpu.memref_slice %arg7[%run_scoped3A_5, %dma_start3A] : memref<4x72xi32, #tpu.memory_space<vmem>> -> memref<1x72xi32, #tpu.memory_space<vmem>>
      %dma_start3A_30 = tpu.memref_squeeze %dma_start3A_29 : memref<1x72xi32, #tpu.memory_space<vmem>> -> memref<72xi32, #tpu.memory_space<vmem>>
      %dma_start3A_31 = tpu.memref_slice %arg5[%mul3A_2] : memref<2304xi32, #tpu.memory_space<hbm>> -> memref<72xi32, #tpu.memory_space<hbm>>
      %dma_start3A_32 = arith.constant 0 : i32
      %dma_start3A_33 = tpu.memref_slice %arg7[%run_scoped3A_5, %dma_start3A_32] : memref<4x72xi32, #tpu.memory_space<vmem>> -> memref<1x72xi32, #tpu.memory_space<vmem>>
      %dma_start3A_34 = tpu.memref_squeeze %dma_start3A_33 : memref<1x72xi32, #tpu.memory_space<vmem>> -> memref<72xi32, #tpu.memory_space<vmem>>
      %dma_start3A_35 = tpu.memref_slice %arg5[%mul3A_2] : memref<2304xi32, #tpu.memory_space<hbm>> -> memref<72xi32, #tpu.memory_space<hbm>>
      tpu.enqueue_dma source(%dma_start3A_35 : memref<72xi32, #tpu.memory_space<hbm>>) target(%dma_start3A_34 : memref<72xi32, #tpu.memory_space<vmem>>) target_semaphore(%run_scoped3A_28 : memref<!tpu.dma_semaphore, #tpu.memory_space<semaphore_mem>>)
      %dma_wait3A = arith.constant 0 : i32
      %dma_wait3A_36 = tpu.memref_slice %arg7[%run_scoped3A_5, %dma_wait3A] : memref<4x72xi32, #tpu.memory_space<vmem>> -> memref<1x72xi32, #tpu.memory_space<vmem>>
      %dma_wait3A_37 = tpu.memref_squeeze %dma_wait3A_36 : memref<1x72xi32, #tpu.memory_space<vmem>> -> memref<72xi32, #tpu.memory_space<vmem>>
      %dma_wait3A_38 = tpu.memref_slice %arg5[%mul3A_2] : memref<2304xi32, #tpu.memory_space<hbm>> -> memref<72xi32, #tpu.memory_space<hbm>>
      %dma_wait3A_39 = arith.constant 0 : i32
      %dma_wait3A_40 = tpu.memref_slice %arg7[%run_scoped3A_5, %dma_wait3A_39] : memref<4x72xi32, #tpu.memory_space<vmem>> -> memref<1x72xi32, #tpu.memory_space<vmem>>
      %dma_wait3A_41 = tpu.memref_squeeze %dma_wait3A_40 : memref<1x72xi32, #tpu.memory_space<vmem>> -> memref<72xi32, #tpu.memory_space<vmem>>
      %dma_wait3A_42 = tpu.memref_slice %arg5[%mul3A_2] : memref<2304xi32, #tpu.memory_space<hbm>> -> memref<72xi32, #tpu.memory_space<hbm>>
      tpu.wait_dma2 semaphore(%run_scoped3A_28 : memref<!tpu.dma_semaphore, #tpu.memory_space<semaphore_mem>>) src(%dma_wait3A_42 : memref<72xi32, #tpu.memory_space<hbm>>) dst(%dma_wait3A_41 : memref<72xi32, #tpu.memory_space<vmem>>)
      tpu.yield
    }) : () -> ()
    %scan3A = arith.constant 0 : i32
    %scan3A_6 = arith.constant 0 : i32
    %scan3A_7 = arith.constant 5 : i32
    %scan3A_8 = arith.addi %scan3A_6, %scan3A_7 : i32
    %scan3A_9 = arith.constant 1 : i32
    %scan3A_10 = scf.for %scan3A_28 = %scan3A_6 to %scan3A_8 step %scan3A_9 iter_args(%scan3A_29 = %scan3A) -> (i32)  : i32 {
      %broadcast_in_dim3A = arith.constant 1.000000e+00 : f32
      %broadcast_in_dim3A_30 = vector.broadcast %broadcast_in_dim3A : f32 to vector<16xf32>
      %mul3A_31 = arith.constant 16 : i32
      %mul3A_32 = arith.muli %scan3A_28, %mul3A_31 : i32
      %swap3A = arith.index_cast %mul3A_32 : i32 to index
      %swap3A_33 = tpu.vector_load %arg8[%swap3A] {strides = array<i32>} : memref<80xf32, #tpu.memory_space<vmem>>, vector<16xf32>,
      %swap3A_34 = vector.shape_cast %swap3A_33 : vector<16xf32> to vector<16xf32>
      %swap3A_35 = vector.shape_cast %broadcast_in_dim3A_30 : vector<16xf32> to vector<16xf32>
      tpu.vector_store %arg8[%swap3A], %swap3A_35 {strides = array<i32>} : memref<80xf32, #tpu.memory_space<vmem>>, vector<16xf32>,
      %scan3A_36 = arith.constant 0 : i32
      scf.yield %scan3A_36 : i32
    }
    %scan3A_11 = arith.constant 5 : i32
    %scan3A_12 = arith.constant 0 : i32
    %scan3A_13 = arith.constant 0 : i32
    %scan3A_14 = arith.constant 128 : i32
    %scan3A_15 = arith.addi %scan3A_13, %scan3A_14 : i32
    %scan3A_16 = arith.constant 1 : i32
    %scan3A_17 = scf.for %scan3A_28 = %scan3A_13 to %scan3A_15 step %scan3A_16 iter_args(%scan3A_29 = %scan3A_12) -> (i32)  : i32 {
      %broadcast_in_dim3A = arith.constant 0.000000e+00 : f32
      %broadcast_in_dim3A_30 = vector.broadcast %broadcast_in_dim3A : f32 to vector<16xf32>
      %mul3A_31 = arith.constant 16 : i32
      %mul3A_32 = arith.muli %scan3A_28, %mul3A_31 : i32
      %swap3A = arith.index_cast %mul3A_32 : i32 to index
      %swap3A_33 = tpu.vector_load %arg9[%swap3A] {strides = array<i32>} : memref<2048xf32, #tpu.memory_space<vmem>>, vector<16xf32>,
      %swap3A_34 = vector.shape_cast %swap3A_33 : vector<16xf32> to vector<16xf32>
      %swap3A_35 = vector.shape_cast %broadcast_in_dim3A_30 : vector<16xf32> to vector<16xf32>
      tpu.vector_store %arg9[%swap3A], %swap3A_35 {strides = array<i32>} : memref<2048xf32, #tpu.memory_space<vmem>>, vector<16xf32>,
      %scan3A_36 = arith.constant 0 : i32
      scf.yield %scan3A_36 : i32
    }
    %scan3A_18 = arith.constant 128 : i32
    %mul3A_19 = arith.constant 2048 : i32
    %mul3A_20 = arith.muli %arg1, %mul3A_19 : i32
    "tpu.region"() ({
      %run_scoped3A_28 = tpu.sem_alloc : memref<!tpu.dma_semaphore, #tpu.memory_space<semaphore_mem>>
      %dma_start3A = tpu.memref_slice %arg10[%mul3A_20] : memref<32768xf32, #tpu.memory_space<vmem_shared>> -> memref<2048xf32, #tpu.memory_space<vmem_shared>>
      %dma_start3A_29 = tpu.memref_slice %arg10[%mul3A_20] : memref<32768xf32, #tpu.memory_space<vmem_shared>> -> memref<2048xf32, #tpu.memory_space<vmem_shared>>
      tpu.enqueue_dma source(%arg9 : memref<2048xf32, #tpu.memory_space<vmem>>) target(%dma_start3A_29 : memref<2048xf32, #tpu.memory_space<vmem_shared>>) target_semaphore(%run_scoped3A_28 : memref<!tpu.dma_semaphore, #tpu.memory_space<semaphore_mem>>)
      %dma_wait3A = tpu.memref_slice %arg10[%mul3A_20] : memref<32768xf32, #tpu.memory_space<vmem_shared>> -> memref<2048xf32, #tpu.memory_space<vmem_shared>>
      %dma_wait3A_30 = tpu.memref_slice %arg10[%mul3A_20] : memref<32768xf32, #tpu.memory_space<vmem_shared>> -> memref<2048xf32, #tpu.memory_space<vmem_shared>>
      tpu.wait_dma2 semaphore(%run_scoped3A_28 : memref<!tpu.dma_semaphore, #tpu.memory_space<semaphore_mem>>) src(%arg9 : memref<2048xf32, #tpu.memory_space<vmem>>) dst(%dma_wait3A_30 : memref<2048xf32, #tpu.memory_space<vmem_shared>>)
      tpu.yield
    }) : () -> ()
    %barrier3A = arith.constant 0 : index
    tpu.barrier barrier_id(%barrier3A)
    %run_scoped3A_21 = arith.constant 0 : i32
    "tpu.region"() ({
      %run_scoped3A_28 = tpu.sem_alloc : memref<!tpu.dma_semaphore, #tpu.memory_space<semaphore_mem>>
      %dma_start3A = arith.constant 0 : i32
      %dma_start3A_29 = tpu.memref_slice %arg8[%dma_start3A] : memref<80xf32, #tpu.memory_space<vmem>> -> memref<72xf32, #tpu.memory_space<vmem>>
      %dma_start3A_30 = arith.constant 0 : i32
      %dma_start3A_31 = tpu.memref_slice %arg7[%run_scoped3A_21, %dma_start3A_30] : memref<4x72xi32, #tpu.memory_space<vmem>> -> memref<1x72xi32, #tpu.memory_space<vmem>>
      %dma_start3A_32 = tpu.memref_squeeze %dma_start3A_31 : memref<1x72xi32, #tpu.memory_space<vmem>> -> memref<72xi32, #tpu.memory_space<vmem>>
      %dma_start3A_33 = arith.constant 0 : i32
      %dma_start3A_34 = tpu.memref_slice %arg10[%dma_start3A_33] : memref<32768xf32, #tpu.memory_space<vmem_shared>> -> memref<32768xf32, #tpu.memory_space<vmem_shared>>
      tpu.enqueue_indirect_dma source(%dma_start3A_29 : memref<72xf32, #tpu.memory_space<vmem>>) target(%dma_start3A_34 : memref<32768xf32, #tpu.memory_space<vmem_shared>>) offsets(%dma_start3A_32 : memref<72xi32, #tpu.memory_space<vmem>>) semaphore(%run_scoped3A_28 : memref<!tpu.dma_semaphore, #tpu.memory_space<semaphore_mem>>) {add = true}
      %dma_wait3A = arith.constant 0 : i32
      %dma_wait3A_35 = tpu.memref_slice %arg8[%dma_wait3A] : memref<80xf32, #tpu.memory_space<vmem>> -> memref<72xf32, #tpu.memory_space<vmem>>
      %dma_wait3A_36 = arith.constant 0 : i32
      %dma_wait3A_37 = tpu.memref_slice %arg7[%run_scoped3A_21, %dma_wait3A_36] : memref<4x72xi32, #tpu.memory_space<vmem>> -> memref<1x72xi32, #tpu.memory_space<vmem>>
      %dma_wait3A_38 = tpu.memref_squeeze %dma_wait3A_37 : memref<1x72xi32, #tpu.memory_space<vmem>> -> memref<72xi32, #tpu.memory_space<vmem>>
      %dma_wait3A_39 = arith.constant 0 : i32
      %dma_wait3A_40 = tpu.memref_slice %arg10[%dma_wait3A_39] : memref<32768xf32, #tpu.memory_space<vmem_shared>> -> memref<32768xf32, #tpu.memory_space<vmem_shared>>
      tpu.wait_indirect_dma semaphore(%run_scoped3A_28 : memref<!tpu.dma_semaphore, #tpu.memory_space<semaphore_mem>>) src(%dma_wait3A_35 : memref<72xf32, #tpu.memory_space<vmem>>) dst(%dma_wait3A_40 : memref<32768xf32, #tpu.memory_space<vmem_shared>>)
      tpu.yield
    }) : () -> ()
    %run_scoped3A_22 = arith.constant 1 : i32
    "tpu.region"() ({
      %run_scoped3A_28 = tpu.sem_alloc : memref<!tpu.dma_semaphore, #tpu.memory_space<semaphore_mem>>
      %dma_start3A = arith.constant 0 : i32
      %dma_start3A_29 = tpu.memref_slice %arg8[%dma_start3A] : memref<80xf32, #tpu.memory_space<vmem>> -> memref<72xf32, #tpu.memory_space<vmem>>
      %dma_start3A_30 = arith.constant 0 : i32
      %dma_start3A_31 = tpu.memref_slice %arg7[%run_scoped3A_22, %dma_start3A_30] : memref<4x72xi32, #tpu.memory_space<vmem>> -> memref<1x72xi32, #tpu.memory_space<vmem>>
      %dma_start3A_32 = tpu.memref_squeeze %dma_start3A_31 : memref<1x72xi32, #tpu.memory_space<vmem>> -> memref<72xi32, #tpu.memory_space<vmem>>
      %dma_start3A_33 = arith.constant 0 : i32
      %dma_start3A_34 = tpu.memref_slice %arg10[%dma_start3A_33] : memref<32768xf32, #tpu.memory_space<vmem_shared>> -> memref<32768xf32, #tpu.memory_space<vmem_shared>>
      tpu.enqueue_indirect_dma source(%dma_start3A_29 : memref<72xf32, #tpu.memory_space<vmem>>) target(%dma_start3A_34 : memref<32768xf32, #tpu.memory_space<vmem_shared>>) offsets(%dma_start3A_32 : memref<72xi32, #tpu.memory_space<vmem>>) semaphore(%run_scoped3A_28 : memref<!tpu.dma_semaphore, #tpu.memory_space<semaphore_mem>>) {add = true}
      %dma_wait3A = arith.constant 0 : i32
      %dma_wait3A_35 = tpu.memref_slice %arg8[%dma_wait3A] : memref<80xf32, #tpu.memory_space<vmem>> -> memref<72xf32, #tpu.memory_space<vmem>>
      %dma_wait3A_36 = arith.constant 0 : i32
      %dma_wait3A_37 = tpu.memref_slice %arg7[%run_scoped3A_22, %dma_wait3A_36] : memref<4x72xi32, #tpu.memory_space<vmem>> -> memref<1x72xi32, #tpu.memory_space<vmem>>
      %dma_wait3A_38 = tpu.memref_squeeze %dma_wait3A_37 : memref<1x72xi32, #tpu.memory_space<vmem>> -> memref<72xi32, #tpu.memory_space<vmem>>
      %dma_wait3A_39 = arith.constant 0 : i32
      %dma_wait3A_40 = tpu.memref_slice %arg10[%dma_wait3A_39] : memref<32768xf32, #tpu.memory_space<vmem_shared>> -> memref<32768xf32, #tpu.memory_space<vmem_shared>>
      tpu.wait_indirect_dma semaphore(%run_scoped3A_28 : memref<!tpu.dma_semaphore, #tpu.memory_space<semaphore_mem>>) src(%dma_wait3A_35 : memref<72xf32, #tpu.memory_space<vmem>>) dst(%dma_wait3A_40 : memref<32768xf32, #tpu.memory_space<vmem_shared>>)
      tpu.yield
    }) : () -> ()
    %run_scoped3A_23 = arith.constant 2 : i32
    "tpu.region"() ({
      %run_scoped3A_28 = tpu.sem_alloc : memref<!tpu.dma_semaphore, #tpu.memory_space<semaphore_mem>>
      %dma_start3A = arith.constant 0 : i32
      %dma_start3A_29 = tpu.memref_slice %arg8[%dma_start3A] : memref<80xf32, #tpu.memory_space<vmem>> -> memref<72xf32, #tpu.memory_space<vmem>>
      %dma_start3A_30 = arith.constant 0 : i32
      %dma_start3A_31 = tpu.memref_slice %arg7[%run_scoped3A_23, %dma_start3A_30] : memref<4x72xi32, #tpu.memory_space<vmem>> -> memref<1x72xi32, #tpu.memory_space<vmem>>
      %dma_start3A_32 = tpu.memref_squeeze %dma_start3A_31 : memref<1x72xi32, #tpu.memory_space<vmem>> -> memref<72xi32, #tpu.memory_space<vmem>>
      %dma_start3A_33 = arith.constant 0 : i32
      %dma_start3A_34 = tpu.memref_slice %arg10[%dma_start3A_33] : memref<32768xf32, #tpu.memory_space<vmem_shared>> -> memref<32768xf32, #tpu.memory_space<vmem_shared>>
      tpu.enqueue_indirect_dma source(%dma_start3A_29 : memref<72xf32, #tpu.memory_space<vmem>>) target(%dma_start3A_34 : memref<32768xf32, #tpu.memory_space<vmem_shared>>) offsets(%dma_start3A_32 : memref<72xi32, #tpu.memory_space<vmem>>) semaphore(%run_scoped3A_28 : memref<!tpu.dma_semaphore, #tpu.memory_space<semaphore_mem>>) {add = true}
      %dma_wait3A = arith.constant 0 : i32
      %dma_wait3A_35 = tpu.memref_slice %arg8[%dma_wait3A] : memref<80xf32, #tpu.memory_space<vmem>> -> memref<72xf32, #tpu.memory_space<vmem>>
      %dma_wait3A_36 = arith.constant 0 : i32
      %dma_wait3A_37 = tpu.memref_slice %arg7[%run_scoped3A_23, %dma_wait3A_36] : memref<4x72xi32, #tpu.memory_space<vmem>> -> memref<1x72xi32, #tpu.memory_space<vmem>>
      %dma_wait3A_38 = tpu.memref_squeeze %dma_wait3A_37 : memref<1x72xi32, #tpu.memory_space<vmem>> -> memref<72xi32, #tpu.memory_space<vmem>>
      %dma_wait3A_39 = arith.constant 0 : i32
      %dma_wait3A_40 = tpu.memref_slice %arg10[%dma_wait3A_39] : memref<32768xf32, #tpu.memory_space<vmem_shared>> -> memref<32768xf32, #tpu.memory_space<vmem_shared>>
      tpu.wait_indirect_dma semaphore(%run_scoped3A_28 : memref<!tpu.dma_semaphore, #tpu.memory_space<semaphore_mem>>) src(%dma_wait3A_35 : memref<72xf32, #tpu.memory_space<vmem>>) dst(%dma_wait3A_40 : memref<32768xf32, #tpu.memory_space<vmem_shared>>)
      tpu.yield
    }) : () -> ()
    %run_scoped3A_24 = arith.constant 3 : i32
    "tpu.region"() ({
      %run_scoped3A_28 = tpu.sem_alloc : memref<!tpu.dma_semaphore, #tpu.memory_space<semaphore_mem>>
      %dma_start3A = arith.constant 0 : i32
      %dma_start3A_29 = tpu.memref_slice %arg8[%dma_start3A] : memref<80xf32, #tpu.memory_space<vmem>> -> memref<72xf32, #tpu.memory_space<vmem>>
      %dma_start3A_30 = arith.constant 0 : i32
      %dma_start3A_31 = tpu.memref_slice %arg7[%run_scoped3A_24, %dma_start3A_30] : memref<4x72xi32, #tpu.memory_space<vmem>> -> memref<1x72xi32, #tpu.memory_space<vmem>>
      %dma_start3A_32 = tpu.memref_squeeze %dma_start3A_31 : memref<1x72xi32, #tpu.memory_space<vmem>> -> memref<72xi32, #tpu.memory_space<vmem>>
      %dma_start3A_33 = arith.constant 0 : i32
      %dma_start3A_34 = tpu.memref_slice %arg10[%dma_start3A_33] : memref<32768xf32, #tpu.memory_space<vmem_shared>> -> memref<32768xf32, #tpu.memory_space<vmem_shared>>
      tpu.enqueue_indirect_dma source(%dma_start3A_29 : memref<72xf32, #tpu.memory_space<vmem>>) target(%dma_start3A_34 : memref<32768xf32, #tpu.memory_space<vmem_shared>>) offsets(%dma_start3A_32 : memref<72xi32, #tpu.memory_space<vmem>>) semaphore(%run_scoped3A_28 : memref<!tpu.dma_semaphore, #tpu.memory_space<semaphore_mem>>) {add = true}
      %dma_wait3A = arith.constant 0 : i32
      %dma_wait3A_35 = tpu.memref_slice %arg8[%dma_wait3A] : memref<80xf32, #tpu.memory_space<vmem>> -> memref<72xf32, #tpu.memory_space<vmem>>
      %dma_wait3A_36 = arith.constant 0 : i32
      %dma_wait3A_37 = tpu.memref_slice %arg7[%run_scoped3A_24, %dma_wait3A_36] : memref<4x72xi32, #tpu.memory_space<vmem>> -> memref<1x72xi32, #tpu.memory_space<vmem>>
      %dma_wait3A_38 = tpu.memref_squeeze %dma_wait3A_37 : memref<1x72xi32, #tpu.memory_space<vmem>> -> memref<72xi32, #tpu.memory_space<vmem>>
      %dma_wait3A_39 = arith.constant 0 : i32
      %dma_wait3A_40 = tpu.memref_slice %arg10[%dma_wait3A_39] : memref<32768xf32, #tpu.memory_space<vmem_shared>> -> memref<32768xf32, #tpu.memory_space<vmem_shared>>
      tpu.wait_indirect_dma semaphore(%run_scoped3A_28 : memref<!tpu.dma_semaphore, #tpu.memory_space<semaphore_mem>>) src(%dma_wait3A_35 : memref<72xf32, #tpu.memory_space<vmem>>) dst(%dma_wait3A_40 : memref<32768xf32, #tpu.memory_space<vmem_shared>>)
      tpu.yield
    }) : () -> ()
    %barrier3A_25 = arith.constant 0 : index
    tpu.barrier barrier_id(%barrier3A_25)
    %eq3A = arith.constant 0 : i32
    %eq3A_26 = arith.cmpi eq, %arg1, %eq3A : i32
    %convert_element_type3A = arith.extui %eq3A_26 : i1 to i32
    %cond3A = arith.constant 0 : i32
    %cond3A_27 = arith.cmpi ne, %convert_element_type3A, %cond3A : i32
    scf.if %cond3A_27 {
      "tpu.region"() ({
        %run_scoped3A_28 = tpu.sem_alloc : memref<!tpu.dma_semaphore, #tpu.memory_space<semaphore_mem>>
        %dma_start3A = arith.constant 0 : i32
        %dma_start3A_29 = tpu.memref_slice %arg6[%arg0, %dma_start3A] : memref<2x32768xf32, #tpu.memory_space<hbm>> -> memref<1x32768xf32, #tpu.memory_space<hbm>>
        %dma_start3A_30 = tpu.memref_squeeze %dma_start3A_29 : memref<1x32768xf32, #tpu.memory_space<hbm>> -> memref<32768xf32, #tpu.memory_space<hbm>>
        tpu.enqueue_dma source(%arg10 : memref<32768xf32, #tpu.memory_space<vmem_shared>>) target(%dma_start3A_30 : memref<32768xf32, #tpu.memory_space<hbm>>) target_semaphore(%run_scoped3A_28 : memref<!tpu.dma_semaphore, #tpu.memory_space<semaphore_mem>>)
        %dma_wait3A = arith.constant 0 : i32
        %dma_wait3A_31 = tpu.memref_slice %arg6[%arg0, %dma_wait3A] : memref<2x32768xf32, #tpu.memory_space<hbm>> -> memref<1x32768xf32, #tpu.memory_space<hbm>>
        %dma_wait3A_32 = tpu.memref_squeeze %dma_wait3A_31 : memref<1x32768xf32, #tpu.memory_space<hbm>> -> memref<32768xf32, #tpu.memory_space<hbm>>
        tpu.wait_dma2 semaphore(%run_scoped3A_28 : memref<!tpu.dma_semaphore, #tpu.memory_space<semaphore_mem>>) src(%arg10 : memref<32768xf32, #tpu.memory_space<vmem_shared>>) dst(%dma_wait3A_32 : memref<32768xf32, #tpu.memory_space<hbm>>)
        tpu.yield
      }) : () -> ()
    } else {
    }
    return
  }
}

#map = affine_map<(d0, d1) -> (0, 0)>
#map1 = affine_map<(d0, d1) -> (0)>
module attributes {stable_mosaic.version = 14 : i64} {
  func.func @gather(%arg0: i32, %arg1: i32, %arg2: memref<32768x256xf32, #tpu.memory_space<hbm>>, %arg3: memref<2304xi32, #tpu.memory_space<hbm>>, %arg4: memref<2304x256xf32, #tpu.memory_space<hbm>>, %arg5: memref<72xi32, #tpu.memory_space<vmem>>, %arg6: memref<72x256xf32, #tpu.memory_space<vmem>>, %arg7: memref<!tpu.dma_semaphore, #tpu.memory_space<semaphore_mem>>) attributes {dimension_semantics = [#tpu.dimension_semantics<core_parallel>, #tpu.dimension_semantics<subcore_parallel>], iteration_bounds = array<i64: 2, 16>, scalar_prefetch = 0 : i64, scratch_operands = 3 : i64, tpu.core_type = #tpu.core_type<sc_vector_subcore>, window_params = [{transform_indices = #map}, {transform_indices = #map1}, {transform_indices = #map}]} {
    %mul3A = arith.constant 2 : i32
    %mul3A_0 = arith.muli %arg1, %mul3A : i32
    %add3A = arith.addi %mul3A_0, %arg0 : i32
    %mul3A_1 = arith.constant 72 : i32
    %mul3A_2 = arith.muli %add3A, %mul3A_1 : i32
    "tpu.region"() ({
      %run_scoped3A = tpu.sem_alloc : memref<!tpu.dma_semaphore, #tpu.memory_space<semaphore_mem>>
      %dma_start3A_7 = tpu.memref_slice %arg3[%mul3A_2] : memref<2304xi32, #tpu.memory_space<hbm>> -> memref<72xi32, #tpu.memory_space<hbm>>
      %dma_start3A_8 = tpu.memref_slice %arg3[%mul3A_2] : memref<2304xi32, #tpu.memory_space<hbm>> -> memref<72xi32, #tpu.memory_space<hbm>>
      tpu.enqueue_dma source(%dma_start3A_8 : memref<72xi32, #tpu.memory_space<hbm>>) target(%arg5 : memref<72xi32, #tpu.memory_space<vmem>>) target_semaphore(%run_scoped3A : memref<!tpu.dma_semaphore, #tpu.memory_space<semaphore_mem>>)
      %dma_wait3A_9 = tpu.memref_slice %arg3[%mul3A_2] : memref<2304xi32, #tpu.memory_space<hbm>> -> memref<72xi32, #tpu.memory_space<hbm>>
      %dma_wait3A_10 = tpu.memref_slice %arg3[%mul3A_2] : memref<2304xi32, #tpu.memory_space<hbm>> -> memref<72xi32, #tpu.memory_space<hbm>>
      tpu.wait_dma2 semaphore(%run_scoped3A : memref<!tpu.dma_semaphore, #tpu.memory_space<semaphore_mem>>) src(%dma_wait3A_10 : memref<72xi32, #tpu.memory_space<hbm>>) dst(%arg5 : memref<72xi32, #tpu.memory_space<vmem>>)
      tpu.yield
    }) : () -> ()
    %dma_start3A = arith.constant 0 : i32
    %dma_start3A_3 = arith.constant 0 : i32
    %dma_start3A_4 = tpu.memref_slice %arg2[%dma_start3A, %dma_start3A_3] : memref<32768x256xf32, #tpu.memory_space<hbm>> -> memref<32768x256xf32, #tpu.memory_space<hbm>>
    tpu.enqueue_indirect_dma source(%dma_start3A_4 : memref<32768x256xf32, #tpu.memory_space<hbm>>) target(%arg6 : memref<72x256xf32, #tpu.memory_space<vmem>>) offsets(%arg5 : memref<72xi32, #tpu.memory_space<vmem>>) semaphore(%arg7 : memref<!tpu.dma_semaphore, #tpu.memory_space<semaphore_mem>>)
    %dma_wait3A = arith.constant 0 : i32
    %dma_wait3A_5 = arith.constant 0 : i32
    %dma_wait3A_6 = tpu.memref_slice %arg2[%dma_wait3A, %dma_wait3A_5] : memref<32768x256xf32, #tpu.memory_space<hbm>> -> memref<32768x256xf32, #tpu.memory_space<hbm>>
    tpu.wait_indirect_dma semaphore(%arg7 : memref<!tpu.dma_semaphore, #tpu.memory_space<semaphore_mem>>) src(%dma_wait3A_6 : memref<32768x256xf32, #tpu.memory_space<hbm>>) dst(%arg6 : memref<72x256xf32, #tpu.memory_space<vmem>>)
    "tpu.region"() ({
      %run_scoped3A = tpu.sem_alloc : memref<!tpu.dma_semaphore, #tpu.memory_space<semaphore_mem>>
      %dma_start3A_7 = arith.constant 0 : i32
      %dma_start3A_8 = tpu.memref_slice %arg4[%mul3A_2, %dma_start3A_7] : memref<2304x256xf32, #tpu.memory_space<hbm>> -> memref<72x256xf32, #tpu.memory_space<hbm>>
      %dma_start3A_9 = arith.constant 0 : i32
      %dma_start3A_10 = tpu.memref_slice %arg4[%mul3A_2, %dma_start3A_9] : memref<2304x256xf32, #tpu.memory_space<hbm>> -> memref<72x256xf32, #tpu.memory_space<hbm>>
      tpu.enqueue_dma source(%arg6 : memref<72x256xf32, #tpu.memory_space<vmem>>) target(%dma_start3A_10 : memref<72x256xf32, #tpu.memory_space<hbm>>) target_semaphore(%run_scoped3A : memref<!tpu.dma_semaphore, #tpu.memory_space<semaphore_mem>>)
      %dma_wait3A_11 = arith.constant 0 : i32
      %dma_wait3A_12 = tpu.memref_slice %arg4[%mul3A_2, %dma_wait3A_11] : memref<2304x256xf32, #tpu.memory_space<hbm>> -> memref<72x256xf32, #tpu.memory_space<hbm>>
      %dma_wait3A_13 = arith.constant 0 : i32
      %dma_wait3A_14 = tpu.memref_slice %arg4[%mul3A_2, %dma_wait3A_13] : memref<2304x256xf32, #tpu.memory_space<hbm>> -> memref<72x256xf32, #tpu.memory_space<hbm>>
      tpu.wait_dma2 semaphore(%run_scoped3A : memref<!tpu.dma_semaphore, #tpu.memory_space<semaphore_mem>>) src(%arg6 : memref<72x256xf32, #tpu.memory_space<vmem>>) dst(%dma_wait3A_14 : memref<72x256xf32, #tpu.memory_space<hbm>>)
      tpu.yield
    }) : () -> ()
    return
  }
}

#map = affine_map<(d0, d1) -> (0, 0)>
#map1 = affine_map<(d0, d1) -> (0)>
module attributes {stable_mosaic.version = 14 : i64} {
  func.func @gather(%arg0: i32, %arg1: i32, %arg2: memref<32768x256xf32, #tpu.memory_space<hbm>>, %arg3: memref<2304xi32, #tpu.memory_space<hbm>>, %arg4: memref<2304x256xf32, #tpu.memory_space<hbm>>, %arg5: memref<72xi32, #tpu.memory_space<vmem>>, %arg6: memref<72x256xf32, #tpu.memory_space<vmem>>, %arg7: memref<!tpu.dma_semaphore, #tpu.memory_space<semaphore_mem>>) attributes {dimension_semantics = [#tpu.dimension_semantics<core_parallel>, #tpu.dimension_semantics<subcore_parallel>], iteration_bounds = array<i64: 2, 16>, scalar_prefetch = 0 : i64, scratch_operands = 3 : i64, tpu.core_type = #tpu.core_type<sc_vector_subcore>, window_params = [{transform_indices = #map}, {transform_indices = #map1}, {transform_indices = #map}]} {
    %mul3A = arith.constant 2 : i32
    %mul3A_0 = arith.muli %arg1, %mul3A : i32
    %add3A = arith.addi %mul3A_0, %arg0 : i32
    %mul3A_1 = arith.constant 72 : i32
    %mul3A_2 = arith.muli %add3A, %mul3A_1 : i32
    "tpu.region"() ({
      %run_scoped3A = tpu.sem_alloc : memref<!tpu.dma_semaphore, #tpu.memory_space<semaphore_mem>>
      %dma_start3A_7 = tpu.memref_slice %arg3[%mul3A_2] : memref<2304xi32, #tpu.memory_space<hbm>> -> memref<72xi32, #tpu.memory_space<hbm>>
      %dma_start3A_8 = tpu.memref_slice %arg3[%mul3A_2] : memref<2304xi32, #tpu.memory_space<hbm>> -> memref<72xi32, #tpu.memory_space<hbm>>
      tpu.enqueue_dma source(%dma_start3A_8 : memref<72xi32, #tpu.memory_space<hbm>>) target(%arg5 : memref<72xi32, #tpu.memory_space<vmem>>) target_semaphore(%run_scoped3A : memref<!tpu.dma_semaphore, #tpu.memory_space<semaphore_mem>>)
      %dma_wait3A_9 = tpu.memref_slice %arg3[%mul3A_2] : memref<2304xi32, #tpu.memory_space<hbm>> -> memref<72xi32, #tpu.memory_space<hbm>>
      %dma_wait3A_10 = tpu.memref_slice %arg3[%mul3A_2] : memref<2304xi32, #tpu.memory_space<hbm>> -> memref<72xi32, #tpu.memory_space<hbm>>
      tpu.wait_dma2 semaphore(%run_scoped3A : memref<!tpu.dma_semaphore, #tpu.memory_space<semaphore_mem>>) src(%dma_wait3A_10 : memref<72xi32, #tpu.memory_space<hbm>>) dst(%arg5 : memref<72xi32, #tpu.memory_space<vmem>>)
      tpu.yield
    }) : () -> ()
    %dma_start3A = arith.constant 0 : i32
    %dma_start3A_3 = arith.constant 0 : i32
    %dma_start3A_4 = tpu.memref_slice %arg2[%dma_start3A, %dma_start3A_3] : memref<32768x256xf32, #tpu.memory_space<hbm>> -> memref<32768x256xf32, #tpu.memory_space<hbm>>
    tpu.enqueue_indirect_dma source(%dma_start3A_4 : memref<32768x256xf32, #tpu.memory_space<hbm>>) target(%arg6 : memref<72x256xf32, #tpu.memory_space<vmem>>) offsets(%arg5 : memref<72xi32, #tpu.memory_space<vmem>>) semaphore(%arg7 : memref<!tpu.dma_semaphore, #tpu.memory_space<semaphore_mem>>)
    %dma_wait3A = arith.constant 0 : i32
    %dma_wait3A_5 = arith.constant 0 : i32
    %dma_wait3A_6 = tpu.memref_slice %arg2[%dma_wait3A, %dma_wait3A_5] : memref<32768x256xf32, #tpu.memory_space<hbm>> -> memref<32768x256xf32, #tpu.memory_space<hbm>>
    tpu.wait_indirect_dma semaphore(%arg7 : memref<!tpu.dma_semaphore, #tpu.memory_space<semaphore_mem>>) src(%dma_wait3A_6 : memref<32768x256xf32, #tpu.memory_space<hbm>>) dst(%arg6 : memref<72x256xf32, #tpu.memory_space<vmem>>)
    "tpu.region"() ({
      %run_scoped3A = tpu.sem_alloc : memref<!tpu.dma_semaphore, #tpu.memory_space<semaphore_mem>>
      %dma_start3A_7 = arith.constant 0 : i32
      %dma_start3A_8 = tpu.memref_slice %arg4[%mul3A_2, %dma_start3A_7] : memref<2304x256xf32, #tpu.memory_space<hbm>> -> memref<72x256xf32, #tpu.memory_space<hbm>>
      %dma_start3A_9 = arith.constant 0 : i32
      %dma_start3A_10 = tpu.memref_slice %arg4[%mul3A_2, %dma_start3A_9] : memref<2304x256xf32, #tpu.memory_space<hbm>> -> memref<72x256xf32, #tpu.memory_space<hbm>>
      tpu.enqueue_dma source(%arg6 : memref<72x256xf32, #tpu.memory_space<vmem>>) target(%dma_start3A_10 : memref<72x256xf32, #tpu.memory_space<hbm>>) target_semaphore(%run_scoped3A : memref<!tpu.dma_semaphore, #tpu.memory_space<semaphore_mem>>)
      %dma_wait3A_11 = arith.constant 0 : i32
      %dma_wait3A_12 = tpu.memref_slice %arg4[%mul3A_2, %dma_wait3A_11] : memref<2304x256xf32, #tpu.memory_space<hbm>> -> memref<72x256xf32, #tpu.memory_space<hbm>>
      %dma_wait3A_13 = arith.constant 0 : i32
      %dma_wait3A_14 = tpu.memref_slice %arg4[%mul3A_2, %dma_wait3A_13] : memref<2304x256xf32, #tpu.memory_space<hbm>> -> memref<72x256xf32, #tpu.memory_space<hbm>>
      tpu.wait_dma2 semaphore(%run_scoped3A : memref<!tpu.dma_semaphore, #tpu.memory_space<semaphore_mem>>) src(%arg6 : memref<72x256xf32, #tpu.memory_space<vmem>>) dst(%dma_wait3A_14 : memref<72x256xf32, #tpu.memory_space<hbm>>)
      tpu.yield
    }) : () -> ()
    return
  }
}

#map = affine_map<(d0, d1) -> (0, 0)>
#map1 = affine_map<(d0, d1) -> (0)>
module attributes {stable_mosaic.version = 14 : i64} {
  func.func @gather(%arg0: i32, %arg1: i32, %arg2: memref<32768x256xf32, #tpu.memory_space<hbm>>, %arg3: memref<2304xi32, #tpu.memory_space<hbm>>, %arg4: memref<2304x256xf32, #tpu.memory_space<hbm>>, %arg5: memref<72xi32, #tpu.memory_space<vmem>>, %arg6: memref<72x256xf32, #tpu.memory_space<vmem>>, %arg7: memref<!tpu.dma_semaphore, #tpu.memory_space<semaphore_mem>>) attributes {dimension_semantics = [#tpu.dimension_semantics<core_parallel>, #tpu.dimension_semantics<subcore_parallel>], iteration_bounds = array<i64: 2, 16>, scalar_prefetch = 0 : i64, scratch_operands = 3 : i64, tpu.core_type = #tpu.core_type<sc_vector_subcore>, window_params = [{transform_indices = #map}, {transform_indices = #map1}, {transform_indices = #map}]} {
    %mul3A = arith.constant 2 : i32
    %mul3A_0 = arith.muli %arg1, %mul3A : i32
    %add3A = arith.addi %mul3A_0, %arg0 : i32
    %mul3A_1 = arith.constant 72 : i32
    %mul3A_2 = arith.muli %add3A, %mul3A_1 : i32
    "tpu.region"() ({
      %run_scoped3A = tpu.sem_alloc : memref<!tpu.dma_semaphore, #tpu.memory_space<semaphore_mem>>
      %dma_start3A_7 = tpu.memref_slice %arg3[%mul3A_2] : memref<2304xi32, #tpu.memory_space<hbm>> -> memref<72xi32, #tpu.memory_space<hbm>>
      %dma_start3A_8 = tpu.memref_slice %arg3[%mul3A_2] : memref<2304xi32, #tpu.memory_space<hbm>> -> memref<72xi32, #tpu.memory_space<hbm>>
      tpu.enqueue_dma source(%dma_start3A_8 : memref<72xi32, #tpu.memory_space<hbm>>) target(%arg5 : memref<72xi32, #tpu.memory_space<vmem>>) target_semaphore(%run_scoped3A : memref<!tpu.dma_semaphore, #tpu.memory_space<semaphore_mem>>)
      %dma_wait3A_9 = tpu.memref_slice %arg3[%mul3A_2] : memref<2304xi32, #tpu.memory_space<hbm>> -> memref<72xi32, #tpu.memory_space<hbm>>
      %dma_wait3A_10 = tpu.memref_slice %arg3[%mul3A_2] : memref<2304xi32, #tpu.memory_space<hbm>> -> memref<72xi32, #tpu.memory_space<hbm>>
      tpu.wait_dma2 semaphore(%run_scoped3A : memref<!tpu.dma_semaphore, #tpu.memory_space<semaphore_mem>>) src(%dma_wait3A_10 : memref<72xi32, #tpu.memory_space<hbm>>) dst(%arg5 : memref<72xi32, #tpu.memory_space<vmem>>)
      tpu.yield
    }) : () -> ()
    %dma_start3A = arith.constant 0 : i32
    %dma_start3A_3 = arith.constant 0 : i32
    %dma_start3A_4 = tpu.memref_slice %arg2[%dma_start3A, %dma_start3A_3] : memref<32768x256xf32, #tpu.memory_space<hbm>> -> memref<32768x256xf32, #tpu.memory_space<hbm>>
    tpu.enqueue_indirect_dma source(%dma_start3A_4 : memref<32768x256xf32, #tpu.memory_space<hbm>>) target(%arg6 : memref<72x256xf32, #tpu.memory_space<vmem>>) offsets(%arg5 : memref<72xi32, #tpu.memory_space<vmem>>) semaphore(%arg7 : memref<!tpu.dma_semaphore, #tpu.memory_space<semaphore_mem>>)
    %dma_wait3A = arith.constant 0 : i32
    %dma_wait3A_5 = arith.constant 0 : i32
    %dma_wait3A_6 = tpu.memref_slice %arg2[%dma_wait3A, %dma_wait3A_5] : memref<32768x256xf32, #tpu.memory_space<hbm>> -> memref<32768x256xf32, #tpu.memory_space<hbm>>
    tpu.wait_indirect_dma semaphore(%arg7 : memref<!tpu.dma_semaphore, #tpu.memory_space<semaphore_mem>>) src(%dma_wait3A_6 : memref<32768x256xf32, #tpu.memory_space<hbm>>) dst(%arg6 : memref<72x256xf32, #tpu.memory_space<vmem>>)
    "tpu.region"() ({
      %run_scoped3A = tpu.sem_alloc : memref<!tpu.dma_semaphore, #tpu.memory_space<semaphore_mem>>
      %dma_start3A_7 = arith.constant 0 : i32
      %dma_start3A_8 = tpu.memref_slice %arg4[%mul3A_2, %dma_start3A_7] : memref<2304x256xf32, #tpu.memory_space<hbm>> -> memref<72x256xf32, #tpu.memory_space<hbm>>
      %dma_start3A_9 = arith.constant 0 : i32
      %dma_start3A_10 = tpu.memref_slice %arg4[%mul3A_2, %dma_start3A_9] : memref<2304x256xf32, #tpu.memory_space<hbm>> -> memref<72x256xf32, #tpu.memory_space<hbm>>
      tpu.enqueue_dma source(%arg6 : memref<72x256xf32, #tpu.memory_space<vmem>>) target(%dma_start3A_10 : memref<72x256xf32, #tpu.memory_space<hbm>>) target_semaphore(%run_scoped3A : memref<!tpu.dma_semaphore, #tpu.memory_space<semaphore_mem>>)
      %dma_wait3A_11 = arith.constant 0 : i32
      %dma_wait3A_12 = tpu.memref_slice %arg4[%mul3A_2, %dma_wait3A_11] : memref<2304x256xf32, #tpu.memory_space<hbm>> -> memref<72x256xf32, #tpu.memory_space<hbm>>
      %dma_wait3A_13 = arith.constant 0 : i32
      %dma_wait3A_14 = tpu.memref_slice %arg4[%mul3A_2, %dma_wait3A_13] : memref<2304x256xf32, #tpu.memory_space<hbm>> -> memref<72x256xf32, #tpu.memory_space<hbm>>
      tpu.wait_dma2 semaphore(%run_scoped3A : memref<!tpu.dma_semaphore, #tpu.memory_space<semaphore_mem>>) src(%arg6 : memref<72x256xf32, #tpu.memory_space<vmem>>) dst(%dma_wait3A_14 : memref<72x256xf32, #tpu.memory_space<hbm>>)
      tpu.yield
    }) : () -> ()
    return
  }
}

module attributes {stable_mosaic.version = 14 : i64} {
  func.func @_level0_body(%arg0: i32, %arg1: memref<576x256xf32, #tpu.memory_space<vmem>>, %arg2: memref<1x8192x256xf32, #tpu.memory_space<vmem>>, %arg3: memref<1x1x8192xf32, #tpu.memory_space<vmem>>, %arg4: memref<576x1xi32, #tpu.memory_space<vmem>>) attributes {dimension_semantics = [#tpu.dimension_semantics<arbitrary>], iteration_bounds = array<i64: 4>, scalar_prefetch = 0 : i64, scratch_operands = 0 : i64, tpu.core_type = #tpu.core_type<tc>, window_params = [{transform_indices = @transform_0, window_bounds = array<i64: 576, 256>}, {transform_indices = @transform_1, window_bounds = array<i64: 1, 8192, 256>}, {transform_indices = @transform_2, window_bounds = array<i64: 1, 1, 8192>}, {transform_indices = @transform_3, window_bounds = array<i64: 576, 1>}]} {
    %get3A = arith.constant 0 : index
    %get3A_0 = arith.constant 0 : index
    %get3A_1 = vector.load %arg1[%get3A, %get3A_0] : memref<576x256xf32, #tpu.memory_space<vmem>>, vector<576x256xf32>
    %get3A_2 = arith.constant 0 : index
    %get3A_3 = arith.constant 0 : index
    %get3A_4 = arith.constant 0 : index
    %get3A_5 = vector.load %arg2[%get3A_2, %get3A_3, %get3A_4] : memref<1x8192x256xf32, #tpu.memory_space<vmem>>, vector<1x8192x256xf32>
    %get3A_6 = vector.shape_cast %get3A_5 : vector<1x8192x256xf32> to vector<8192x256xf32>
    %get3A_7 = arith.constant 0 : index
    %get3A_8 = arith.constant 0 : index
    %get3A_9 = arith.constant 0 : index
    %get3A_10 = vector.load %arg3[%get3A_7, %get3A_8, %get3A_9] : memref<1x1x8192xf32, #tpu.memory_space<vmem>>, vector<1x1x8192xf32>
    %get3A_11 = vector.shape_cast %get3A_10 : vector<1x1x8192xf32> to vector<1x8192xf32>
    %dot_general3A = arith.constant dense<0.000000e+00> : vector<576x8192xf32>
    %dot_general3A_12 = tpu.matmul %get3A_1, %get3A_6, %dot_general3A {dimension_numbers = #tpu.dot_dimension_numbers<[1], [1], [0], [0], [0, 0, 1, 0], [], []>, transpose_lhs_hint = false} : vector<576x256xf32>, vector<8192x256xf32>, vector<576x8192xf32> -> vector<576x8192xf32>
    %mul3A = arith.constant 2.000000e+00 : f32
    %mul3A_13 = vector.broadcast %mul3A : f32 to vector<576x8192xf32>
    %mul3A_14 = arith.mulf %mul3A_13, %dot_general3A_12 : vector<576x8192xf32>
    %sub3A = vector.broadcast %get3A_11 : vector<1x8192xf32> to vector<576x8192xf32>
    %sub3A_15 = arith.subf %sub3A, %mul3A_14 : vector<576x8192xf32>
    %argmin3A = tpu.reduce_index %sub3A_15 {axis = 1 : i32, kind = #tpu.reduction_kind<arg_min>} : vector<576x8192xf32> -> vector<576xi32>
    %reshape3A = vector.shape_cast %argmin3A : vector<576xi32> to vector<576x1xi32>
    %swap3A = arith.constant 0 : index
    %swap3A_16 = arith.constant 0 : index
    %swap3A_17 = vector.load %arg4[%swap3A, %swap3A_16] : memref<576x1xi32, #tpu.memory_space<vmem>>, vector<576x1xi32>
    tpu.vector_store %arg4[%swap3A, %swap3A_16], %reshape3A {strides = array<i32>} : memref<576x1xi32, #tpu.memory_space<vmem>>, vector<576x1xi32>,
    return
  }
  func.func @transform_0(%arg0: i32) -> (i32, i32) {
    %c0_i32 = arith.constant 0 : i32
    %c0_i32_0 = arith.constant 0 : i32
    return %arg0, %c0_i32 : i32, i32
  }
  func.func @transform_1(%arg0: i32) -> (i32, i32, i32) {
    %c0_i32 = arith.constant 0 : i32
    %c0_i32_0 = arith.constant 0 : i32
    %c0_i32_1 = arith.constant 0 : i32
    %c0_i32_2 = arith.constant 0 : i32
    return %c0_i32, %c0_i32_0, %c0_i32_1 : i32, i32, i32
  }
  func.func @transform_2(%arg0: i32) -> (i32, i32, i32) {
    %c0_i32 = arith.constant 0 : i32
    %c0_i32_0 = arith.constant 0 : i32
    %c0_i32_1 = arith.constant 0 : i32
    %c0_i32_2 = arith.constant 0 : i32
    return %c0_i32, %c0_i32_0, %c0_i32_1 : i32, i32, i32
  }
  func.func @transform_3(%arg0: i32) -> (i32, i32) {
    %c0_i32 = arith.constant 0 : i32
    %c0_i32_0 = arith.constant 0 : i32
    return %arg0, %c0_i32 : i32, i32
  }
}

module attributes {stable_mosaic.version = 14 : i64} {
  func.func @body(%arg0: i32, %arg1: memref<576x256xf32, #tpu.memory_space<vmem>>, %arg2: memref<576x256xf32, #tpu.memory_space<vmem>>, %arg3: memref<1x8192x256xf32, #tpu.memory_space<vmem>>, %arg4: memref<1x1x8192xf32, #tpu.memory_space<vmem>>, %arg5: memref<576x1xi32, #tpu.memory_space<vmem>>, %arg6: memref<576x256xf32, #tpu.memory_space<vmem>>, %arg7: memref<1x1xf32, #tpu.memory_space<vmem>>, %arg8: memref<1x1xf32, #tpu.memory_space<vmem>>) attributes {dimension_semantics = [#tpu.dimension_semantics<arbitrary>], iteration_bounds = array<i64: 4>, scalar_prefetch = 0 : i64, scratch_operands = 1 : i64, tpu.core_type = #tpu.core_type<tc>, window_params = [{transform_indices = @transform_0, window_bounds = array<i64: 576, 256>}, {transform_indices = @transform_1, window_bounds = array<i64: 576, 256>}, {transform_indices = @transform_2, window_bounds = array<i64: 1, 8192, 256>}, {transform_indices = @transform_3, window_bounds = array<i64: 1, 1, 8192>}, {transform_indices = @transform_4, window_bounds = array<i64: 576, 1>}, {transform_indices = @transform_5, window_bounds = array<i64: 576, 256>}, {pipeline_mode = #tpu.pipeline_mode<synchronous>, transform_indices = @transform_6, window_bounds = array<i64: 1, 1>}]} {
    %eq3A = arith.constant 0 : i32
    %eq3A_0 = arith.cmpi eq, %arg0, %eq3A : i32
    %convert_element_type3A = arith.extui %eq3A_0 : i1 to i32
    %cond3A = arith.constant 0 : i32
    %cond3A_1 = arith.cmpi ne, %convert_element_type3A, %cond3A : i32
    scf.if %cond3A_1 {
      %broadcast_in_dim3A_94 = arith.constant 0.000000e+00 : f32
      %broadcast_in_dim3A_95 = vector.broadcast %broadcast_in_dim3A_94 : f32 to vector<1x1xf32>
      %swap3A_96 = arith.constant 0 : index
      %swap3A_97 = arith.constant 0 : index
      %swap3A_98 = vector.load %arg8[%swap3A_96, %swap3A_97] : memref<1x1xf32, #tpu.memory_space<vmem>>, vector<1x1xf32>
      tpu.vector_store %arg8[%swap3A_96, %swap3A_97], %broadcast_in_dim3A_95 {strides = array<i32>} : memref<1x1xf32, #tpu.memory_space<vmem>>, vector<1x1xf32>,
    } else {
    }
    %get3A = arith.constant 0 : index
    %get3A_2 = arith.constant 0 : index
    %get3A_3 = vector.load %arg1[%get3A, %get3A_2] : memref<576x256xf32, #tpu.memory_space<vmem>>, vector<576x256xf32>
    %get3A_4 = arith.constant 0 : index
    %get3A_5 = arith.constant 0 : index
    %get3A_6 = vector.load %arg2[%get3A_4, %get3A_5] : memref<576x256xf32, #tpu.memory_space<vmem>>, vector<576x256xf32>
    %get3A_7 = arith.constant 0 : index
    %get3A_8 = arith.constant 0 : index
    %get3A_9 = vector.load %arg8[%get3A_7, %get3A_8] : memref<1x1xf32, #tpu.memory_space<vmem>>, vector<1x1xf32>
    %sub3A = arith.subf %get3A_6, %get3A_3 : vector<576x256xf32>
    %integer_pow3A = arith.mulf %sub3A, %sub3A : vector<576x256xf32>
    %reduce_sum3A = vector.shape_cast %integer_pow3A : vector<576x256xf32> to vector<1x576x256xf32>
    %reduce_sum3A_10 = arith.constant dense<0.000000e+00> : vector<1xf32>
    %reduce_sum3A_11 = vector.multi_reduction <add>, %reduce_sum3A, %reduce_sum3A_10 [1, 2] : vector<1x576x256xf32> to vector<1xf32>
    %reduce_sum3A_12 = vector.shape_cast %reduce_sum3A_11 : vector<1xf32> to vector<1x1x1xf32>
    %reduce_sum3A_13 = vector.extract %reduce_sum3A_12[0, 0, 0] : f32 from vector<1x1x1xf32>
    %broadcast_in_dim3A = vector.broadcast %reduce_sum3A_13 : f32 to vector<1x1xf32>
    %add3A = arith.addf %get3A_9, %broadcast_in_dim3A : vector<1x1xf32>
    %swap3A = arith.constant 0 : index
    %swap3A_14 = arith.constant 0 : index
    %swap3A_15 = vector.load %arg8[%swap3A, %swap3A_14] : memref<1x1xf32, #tpu.memory_space<vmem>>, vector<1x1xf32>
    tpu.vector_store %arg8[%swap3A, %swap3A_14], %add3A {strides = array<i32>} : memref<1x1xf32, #tpu.memory_space<vmem>>, vector<1x1xf32>,
    %mul3A = arith.mulf %get3A_3, %get3A_3 : vector<576x256xf32>
    %reduce_sum3A_16 = arith.constant dense<0.000000e+00> : vector<576xf32>
    %reduce_sum3A_17 = vector.multi_reduction <add>, %mul3A, %reduce_sum3A_16 [1] : vector<576x256xf32> to vector<576xf32>
    %broadcast_in_dim3A_18 = vector.shape_cast %reduce_sum3A_17 : vector<576xf32> to vector<576x1xf32>
    %sqrt3A = math.sqrt %broadcast_in_dim3A_18 : vector<576x1xf32>
    %max3A = arith.constant 9.99999997E-7 : f32
    %max3A_19 = vector.broadcast %max3A : f32 to vector<576x1xf32>
    %max3A_20 = arith.maximumf %sqrt3A, %max3A_19 : vector<576x1xf32>
    %div3A = vector.broadcast %max3A_20 : vector<576x1xf32> to vector<576x256xf32>
    %div3A_21 = arith.divf %get3A_3, %div3A : vector<576x256xf32>
    %mul3A_22 = arith.mulf %get3A_6, %get3A_6 : vector<576x256xf32>
    %reduce_sum3A_23 = arith.constant dense<0.000000e+00> : vector<576xf32>
    %reduce_sum3A_24 = vector.multi_reduction <add>, %mul3A_22, %reduce_sum3A_23 [1] : vector<576x256xf32> to vector<576xf32>
    %broadcast_in_dim3A_25 = vector.shape_cast %reduce_sum3A_24 : vector<576xf32> to vector<576x1xf32>
    %sqrt3A_26 = math.sqrt %broadcast_in_dim3A_25 : vector<576x1xf32>
    %max3A_27 = arith.constant 9.99999997E-7 : f32
    %max3A_28 = vector.broadcast %max3A_27 : f32 to vector<576x1xf32>
    %max3A_29 = arith.maximumf %sqrt3A_26, %max3A_28 : vector<576x1xf32>
    %div3A_30 = vector.broadcast %max3A_29 : vector<576x1xf32> to vector<576x256xf32>
    %div3A_31 = arith.divf %get3A_6, %div3A_30 : vector<576x256xf32>
    %add3A_32 = arith.addf %div3A_21, %div3A_31 : vector<576x256xf32>
    %mul3A_33 = arith.mulf %add3A_32, %add3A_32 : vector<576x256xf32>
    %reduce_sum3A_34 = arith.constant dense<0.000000e+00> : vector<576xf32>
    %reduce_sum3A_35 = vector.multi_reduction <add>, %mul3A_33, %reduce_sum3A_34 [1] : vector<576x256xf32> to vector<576xf32>
    %broadcast_in_dim3A_36 = vector.shape_cast %reduce_sum3A_35 : vector<576xf32> to vector<576x1xf32>
    %sqrt3A_37 = math.sqrt %broadcast_in_dim3A_36 : vector<576x1xf32>
    %max3A_38 = arith.constant 9.99999997E-7 : f32
    %max3A_39 = vector.broadcast %max3A_38 : f32 to vector<576x1xf32>
    %max3A_40 = arith.maximumf %sqrt3A_37, %max3A_39 : vector<576x1xf32>
    %div3A_41 = vector.broadcast %max3A_40 : vector<576x1xf32> to vector<576x256xf32>
    %div3A_42 = arith.divf %add3A_32, %div3A_41 : vector<576x256xf32>
    %mul3A_43 = arith.mulf %get3A_3, %div3A_42 : vector<576x256xf32>
    %reduce_sum3A_44 = arith.constant dense<0.000000e+00> : vector<576xf32>
    %reduce_sum3A_45 = vector.multi_reduction <add>, %mul3A_43, %reduce_sum3A_44 [1] : vector<576x256xf32> to vector<576xf32>
    %broadcast_in_dim3A_46 = vector.shape_cast %reduce_sum3A_45 : vector<576xf32> to vector<576x1xf32>
    %mul3A_47 = arith.mulf %get3A_3, %div3A_21 : vector<576x256xf32>
    %reduce_sum3A_48 = arith.constant dense<0.000000e+00> : vector<576xf32>
    %reduce_sum3A_49 = vector.multi_reduction <add>, %mul3A_47, %reduce_sum3A_48 [1] : vector<576x256xf32> to vector<576xf32>
    %broadcast_in_dim3A_50 = vector.shape_cast %reduce_sum3A_49 : vector<576xf32> to vector<576x1xf32>
    %mul3A_51 = arith.constant 2.000000e+00 : f32
    %mul3A_52 = vector.broadcast %mul3A_51 : f32 to vector<576x1xf32>
    %mul3A_53 = arith.mulf %mul3A_52, %broadcast_in_dim3A_46 : vector<576x1xf32>
    %mul3A_54 = vector.broadcast %mul3A_53 : vector<576x1xf32> to vector<576x256xf32>
    %mul3A_55 = arith.mulf %mul3A_54, %div3A_42 : vector<576x256xf32>
    %sub3A_56 = arith.subf %get3A_3, %mul3A_55 : vector<576x256xf32>
    %mul3A_57 = arith.constant 2.000000e+00 : f32
    %mul3A_58 = vector.broadcast %mul3A_57 : f32 to vector<576x1xf32>
    %mul3A_59 = arith.mulf %mul3A_58, %broadcast_in_dim3A_50 : vector<576x1xf32>
    %mul3A_60 = vector.broadcast %mul3A_59 : vector<576x1xf32> to vector<576x256xf32>
    %mul3A_61 = arith.mulf %mul3A_60, %div3A_31 : vector<576x256xf32>
    %add3A_62 = arith.addf %sub3A_56, %mul3A_61 : vector<576x256xf32>
    %sub3A_63 = arith.subf %get3A_3, %add3A_62 : vector<576x256xf32>
    %swap3A_64 = arith.constant 0 : index
    %swap3A_65 = arith.constant 0 : index
    %swap3A_66 = vector.load %arg6[%swap3A_64, %swap3A_65] : memref<576x256xf32, #tpu.memory_space<vmem>>, vector<576x256xf32>
    tpu.vector_store %arg6[%swap3A_64, %swap3A_65], %sub3A_63 {strides = array<i32>} : memref<576x256xf32, #tpu.memory_space<vmem>>, vector<576x256xf32>,
    %get3A_67 = arith.constant 0 : index
    %get3A_68 = arith.constant 0 : index
    %get3A_69 = arith.constant 0 : index
    %get3A_70 = vector.load %arg3[%get3A_67, %get3A_68, %get3A_69] : memref<1x8192x256xf32, #tpu.memory_space<vmem>>, vector<1x8192x256xf32>
    %get3A_71 = vector.shape_cast %get3A_70 : vector<1x8192x256xf32> to vector<8192x256xf32>
    %get3A_72 = arith.constant 0 : index
    %get3A_73 = arith.constant 0 : index
    %get3A_74 = arith.constant 0 : index
    %get3A_75 = vector.load %arg4[%get3A_72, %get3A_73, %get3A_74] : memref<1x1x8192xf32, #tpu.memory_space<vmem>>, vector<1x1x8192xf32>
    %get3A_76 = vector.shape_cast %get3A_75 : vector<1x1x8192xf32> to vector<1x8192xf32>
    %dot_general3A = arith.constant dense<0.000000e+00> : vector<576x8192xf32>
    %dot_general3A_77 = tpu.matmul %sub3A_63, %get3A_71, %dot_general3A {dimension_numbers = #tpu.dot_dimension_numbers<[1], [1], [0], [0], [0, 0, 1, 0], [], []>, transpose_lhs_hint = false} : vector<576x256xf32>, vector<8192x256xf32>, vector<576x8192xf32> -> vector<576x8192xf32>
    %mul3A_78 = arith.constant 2.000000e+00 : f32
    %mul3A_79 = vector.broadcast %mul3A_78 : f32 to vector<576x8192xf32>
    %mul3A_80 = arith.mulf %mul3A_79, %dot_general3A_77 : vector<576x8192xf32>
    %sub3A_81 = vector.broadcast %get3A_76 : vector<1x8192xf32> to vector<576x8192xf32>
    %sub3A_82 = arith.subf %sub3A_81, %mul3A_80 : vector<576x8192xf32>
    %argmin3A = tpu.reduce_index %sub3A_82 {axis = 1 : i32, kind = #tpu.reduction_kind<arg_min>} : vector<576x8192xf32> -> vector<576xi32>
    %reshape3A = vector.shape_cast %argmin3A : vector<576xi32> to vector<576x1xi32>
    %add3A_83 = arith.constant 8192 : i32
    %add3A_84 = vector.broadcast %add3A_83 : i32 to vector<576x1xi32>
    %add3A_85 = arith.addi %reshape3A, %add3A_84 : vector<576x1xi32>
    %swap3A_86 = arith.constant 0 : index
    %swap3A_87 = arith.constant 0 : index
    %swap3A_88 = vector.load %arg5[%swap3A_86, %swap3A_87] : memref<576x1xi32, #tpu.memory_space<vmem>>, vector<576x1xi32>
    tpu.vector_store %arg5[%swap3A_86, %swap3A_87], %add3A_85 {strides = array<i32>} : memref<576x1xi32, #tpu.memory_space<vmem>>, vector<576x1xi32>,
    %eq3A_89 = arith.constant 3 : i32
    %eq3A_90 = arith.cmpi eq, %arg0, %eq3A_89 : i32
    %convert_element_type3A_91 = arith.extui %eq3A_90 : i1 to i32
    %cond3A_92 = arith.constant 0 : i32
    %cond3A_93 = arith.cmpi ne, %convert_element_type3A_91, %cond3A_92 : i32
    scf.if %cond3A_93 {
      %get3A_94 = arith.constant 0 : index
      %get3A_95 = arith.constant 0 : index
      %get3A_96 = vector.load %arg8[%get3A_94, %get3A_95] : memref<1x1xf32, #tpu.memory_space<vmem>>, vector<1x1xf32>
      %swap3A_97 = arith.constant 0 : index
      %swap3A_98 = arith.constant 0 : index
      %swap3A_99 = vector.load %arg7[%swap3A_97, %swap3A_98] : memref<1x1xf32, #tpu.memory_space<vmem>>, vector<1x1xf32>
      tpu.vector_store %arg7[%swap3A_97, %swap3A_98], %get3A_96 {strides = array<i32>} : memref<1x1xf32, #tpu.memory_space<vmem>>, vector<1x1xf32>,
    } else {
    }
    return
  }
  func.func @transform_0(%arg0: i32) -> (i32, i32) {
    %c0_i32 = arith.constant 0 : i32
    %c0_i32_0 = arith.constant 0 : i32
    return %arg0, %c0_i32 : i32, i32
  }
  func.func @transform_1(%arg0: i32) -> (i32, i32) {
    %c0_i32 = arith.constant 0 : i32
    %c0_i32_0 = arith.constant 0 : i32
    return %arg0, %c0_i32 : i32, i32
  }
  func.func @transform_2(%arg0: i32) -> (i32, i32, i32) {
    %c1_i32 = arith.constant 1 : i32
    %c0_i32 = arith.constant 0 : i32
    %c0_i32_0 = arith.constant 0 : i32
    %c0_i32_1 = arith.constant 0 : i32
    return %c1_i32, %c0_i32, %c0_i32_0 : i32, i32, i32
  }
  func.func @transform_3(%arg0: i32) -> (i32, i32, i32) {
    %c1_i32 = arith.constant 1 : i32
    %c0_i32 = arith.constant 0 : i32
    %c0_i32_0 = arith.constant 0 : i32
    %c0_i32_1 = arith.constant 0 : i32
    return %c1_i32, %c0_i32, %c0_i32_0 : i32, i32, i32
  }
  func.func @transform_4(%arg0: i32) -> (i32, i32) {
    %c0_i32 = arith.constant 0 : i32
    %c0_i32_0 = arith.constant 0 : i32
    return %arg0, %c0_i32 : i32, i32
  }
  func.func @transform_5(%arg0: i32) -> (i32, i32) {
    %c0_i32 = arith.constant 0 : i32
    %c0_i32_0 = arith.constant 0 : i32
    return %arg0, %c0_i32 : i32, i32
  }
  func.func @transform_6(%arg0: i32) -> (i32, i32) {
    %c0_i32 = arith.constant 0 : i32
    %c0_i32_0 = arith.constant 0 : i32
    %c0_i32_1 = arith.constant 0 : i32
    return %c0_i32, %c0_i32_0 : i32, i32
  }
}

module attributes {stable_mosaic.version = 14 : i64} {
  func.func @body(%arg0: i32, %arg1: memref<576x256xf32, #tpu.memory_space<vmem>>, %arg2: memref<576x256xf32, #tpu.memory_space<vmem>>, %arg3: memref<1x8192x256xf32, #tpu.memory_space<vmem>>, %arg4: memref<1x1x8192xf32, #tpu.memory_space<vmem>>, %arg5: memref<576x1xi32, #tpu.memory_space<vmem>>, %arg6: memref<576x256xf32, #tpu.memory_space<vmem>>, %arg7: memref<1x1xf32, #tpu.memory_space<vmem>>, %arg8: memref<1x1xf32, #tpu.memory_space<vmem>>) attributes {dimension_semantics = [#tpu.dimension_semantics<arbitrary>], iteration_bounds = array<i64: 4>, scalar_prefetch = 0 : i64, scratch_operands = 1 : i64, tpu.core_type = #tpu.core_type<tc>, window_params = [{transform_indices = @transform_0, window_bounds = array<i64: 576, 256>}, {transform_indices = @transform_1, window_bounds = array<i64: 576, 256>}, {transform_indices = @transform_2, window_bounds = array<i64: 1, 8192, 256>}, {transform_indices = @transform_3, window_bounds = array<i64: 1, 1, 8192>}, {transform_indices = @transform_4, window_bounds = array<i64: 576, 1>}, {transform_indices = @transform_5, window_bounds = array<i64: 576, 256>}, {pipeline_mode = #tpu.pipeline_mode<synchronous>, transform_indices = @transform_6, window_bounds = array<i64: 1, 1>}]} {
    %eq3A = arith.constant 0 : i32
    %eq3A_0 = arith.cmpi eq, %arg0, %eq3A : i32
    %convert_element_type3A = arith.extui %eq3A_0 : i1 to i32
    %cond3A = arith.constant 0 : i32
    %cond3A_1 = arith.cmpi ne, %convert_element_type3A, %cond3A : i32
    scf.if %cond3A_1 {
      %broadcast_in_dim3A_94 = arith.constant 0.000000e+00 : f32
      %broadcast_in_dim3A_95 = vector.broadcast %broadcast_in_dim3A_94 : f32 to vector<1x1xf32>
      %swap3A_96 = arith.constant 0 : index
      %swap3A_97 = arith.constant 0 : index
      %swap3A_98 = vector.load %arg8[%swap3A_96, %swap3A_97] : memref<1x1xf32, #tpu.memory_space<vmem>>, vector<1x1xf32>
      tpu.vector_store %arg8[%swap3A_96, %swap3A_97], %broadcast_in_dim3A_95 {strides = array<i32>} : memref<1x1xf32, #tpu.memory_space<vmem>>, vector<1x1xf32>,
    } else {
    }
    %get3A = arith.constant 0 : index
    %get3A_2 = arith.constant 0 : index
    %get3A_3 = vector.load %arg1[%get3A, %get3A_2] : memref<576x256xf32, #tpu.memory_space<vmem>>, vector<576x256xf32>
    %get3A_4 = arith.constant 0 : index
    %get3A_5 = arith.constant 0 : index
    %get3A_6 = vector.load %arg2[%get3A_4, %get3A_5] : memref<576x256xf32, #tpu.memory_space<vmem>>, vector<576x256xf32>
    %get3A_7 = arith.constant 0 : index
    %get3A_8 = arith.constant 0 : index
    %get3A_9 = vector.load %arg8[%get3A_7, %get3A_8] : memref<1x1xf32, #tpu.memory_space<vmem>>, vector<1x1xf32>
    %sub3A = arith.subf %get3A_6, %get3A_3 : vector<576x256xf32>
    %integer_pow3A = arith.mulf %sub3A, %sub3A : vector<576x256xf32>
    %reduce_sum3A = vector.shape_cast %integer_pow3A : vector<576x256xf32> to vector<1x576x256xf32>
    %reduce_sum3A_10 = arith.constant dense<0.000000e+00> : vector<1xf32>
    %reduce_sum3A_11 = vector.multi_reduction <add>, %reduce_sum3A, %reduce_sum3A_10 [1, 2] : vector<1x576x256xf32> to vector<1xf32>
    %reduce_sum3A_12 = vector.shape_cast %reduce_sum3A_11 : vector<1xf32> to vector<1x1x1xf32>
    %reduce_sum3A_13 = vector.extract %reduce_sum3A_12[0, 0, 0] : f32 from vector<1x1x1xf32>
    %broadcast_in_dim3A = vector.broadcast %reduce_sum3A_13 : f32 to vector<1x1xf32>
    %add3A = arith.addf %get3A_9, %broadcast_in_dim3A : vector<1x1xf32>
    %swap3A = arith.constant 0 : index
    %swap3A_14 = arith.constant 0 : index
    %swap3A_15 = vector.load %arg8[%swap3A, %swap3A_14] : memref<1x1xf32, #tpu.memory_space<vmem>>, vector<1x1xf32>
    tpu.vector_store %arg8[%swap3A, %swap3A_14], %add3A {strides = array<i32>} : memref<1x1xf32, #tpu.memory_space<vmem>>, vector<1x1xf32>,
    %mul3A = arith.mulf %get3A_3, %get3A_3 : vector<576x256xf32>
    %reduce_sum3A_16 = arith.constant dense<0.000000e+00> : vector<576xf32>
    %reduce_sum3A_17 = vector.multi_reduction <add>, %mul3A, %reduce_sum3A_16 [1] : vector<576x256xf32> to vector<576xf32>
    %broadcast_in_dim3A_18 = vector.shape_cast %reduce_sum3A_17 : vector<576xf32> to vector<576x1xf32>
    %sqrt3A = math.sqrt %broadcast_in_dim3A_18 : vector<576x1xf32>
    %max3A = arith.constant 9.99999997E-7 : f32
    %max3A_19 = vector.broadcast %max3A : f32 to vector<576x1xf32>
    %max3A_20 = arith.maximumf %sqrt3A, %max3A_19 : vector<576x1xf32>
    %div3A = vector.broadcast %max3A_20 : vector<576x1xf32> to vector<576x256xf32>
    %div3A_21 = arith.divf %get3A_3, %div3A : vector<576x256xf32>
    %mul3A_22 = arith.mulf %get3A_6, %get3A_6 : vector<576x256xf32>
    %reduce_sum3A_23 = arith.constant dense<0.000000e+00> : vector<576xf32>
    %reduce_sum3A_24 = vector.multi_reduction <add>, %mul3A_22, %reduce_sum3A_23 [1] : vector<576x256xf32> to vector<576xf32>
    %broadcast_in_dim3A_25 = vector.shape_cast %reduce_sum3A_24 : vector<576xf32> to vector<576x1xf32>
    %sqrt3A_26 = math.sqrt %broadcast_in_dim3A_25 : vector<576x1xf32>
    %max3A_27 = arith.constant 9.99999997E-7 : f32
    %max3A_28 = vector.broadcast %max3A_27 : f32 to vector<576x1xf32>
    %max3A_29 = arith.maximumf %sqrt3A_26, %max3A_28 : vector<576x1xf32>
    %div3A_30 = vector.broadcast %max3A_29 : vector<576x1xf32> to vector<576x256xf32>
    %div3A_31 = arith.divf %get3A_6, %div3A_30 : vector<576x256xf32>
    %add3A_32 = arith.addf %div3A_21, %div3A_31 : vector<576x256xf32>
    %mul3A_33 = arith.mulf %add3A_32, %add3A_32 : vector<576x256xf32>
    %reduce_sum3A_34 = arith.constant dense<0.000000e+00> : vector<576xf32>
    %reduce_sum3A_35 = vector.multi_reduction <add>, %mul3A_33, %reduce_sum3A_34 [1] : vector<576x256xf32> to vector<576xf32>
    %broadcast_in_dim3A_36 = vector.shape_cast %reduce_sum3A_35 : vector<576xf32> to vector<576x1xf32>
    %sqrt3A_37 = math.sqrt %broadcast_in_dim3A_36 : vector<576x1xf32>
    %max3A_38 = arith.constant 9.99999997E-7 : f32
    %max3A_39 = vector.broadcast %max3A_38 : f32 to vector<576x1xf32>
    %max3A_40 = arith.maximumf %sqrt3A_37, %max3A_39 : vector<576x1xf32>
    %div3A_41 = vector.broadcast %max3A_40 : vector<576x1xf32> to vector<576x256xf32>
    %div3A_42 = arith.divf %add3A_32, %div3A_41 : vector<576x256xf32>
    %mul3A_43 = arith.mulf %get3A_3, %div3A_42 : vector<576x256xf32>
    %reduce_sum3A_44 = arith.constant dense<0.000000e+00> : vector<576xf32>
    %reduce_sum3A_45 = vector.multi_reduction <add>, %mul3A_43, %reduce_sum3A_44 [1] : vector<576x256xf32> to vector<576xf32>
    %broadcast_in_dim3A_46 = vector.shape_cast %reduce_sum3A_45 : vector<576xf32> to vector<576x1xf32>
    %mul3A_47 = arith.mulf %get3A_3, %div3A_21 : vector<576x256xf32>
    %reduce_sum3A_48 = arith.constant dense<0.000000e+00> : vector<576xf32>
    %reduce_sum3A_49 = vector.multi_reduction <add>, %mul3A_47, %reduce_sum3A_48 [1] : vector<576x256xf32> to vector<576xf32>
    %broadcast_in_dim3A_50 = vector.shape_cast %reduce_sum3A_49 : vector<576xf32> to vector<576x1xf32>
    %mul3A_51 = arith.constant 2.000000e+00 : f32
    %mul3A_52 = vector.broadcast %mul3A_51 : f32 to vector<576x1xf32>
    %mul3A_53 = arith.mulf %mul3A_52, %broadcast_in_dim3A_46 : vector<576x1xf32>
    %mul3A_54 = vector.broadcast %mul3A_53 : vector<576x1xf32> to vector<576x256xf32>
    %mul3A_55 = arith.mulf %mul3A_54, %div3A_42 : vector<576x256xf32>
    %sub3A_56 = arith.subf %get3A_3, %mul3A_55 : vector<576x256xf32>
    %mul3A_57 = arith.constant 2.000000e+00 : f32
    %mul3A_58 = vector.broadcast %mul3A_57 : f32 to vector<576x1xf32>
    %mul3A_59 = arith.mulf %mul3A_58, %broadcast_in_dim3A_50 : vector<576x1xf32>
    %mul3A_60 = vector.broadcast %mul3A_59 : vector<576x1xf32> to vector<576x256xf32>
    %mul3A_61 = arith.mulf %mul3A_60, %div3A_31 : vector<576x256xf32>
    %add3A_62 = arith.addf %sub3A_56, %mul3A_61 : vector<576x256xf32>
    %sub3A_63 = arith.subf %get3A_3, %add3A_62 : vector<576x256xf32>
    %swap3A_64 = arith.constant 0 : index
    %swap3A_65 = arith.constant 0 : index
    %swap3A_66 = vector.load %arg6[%swap3A_64, %swap3A_65] : memref<576x256xf32, #tpu.memory_space<vmem>>, vector<576x256xf32>
    tpu.vector_store %arg6[%swap3A_64, %swap3A_65], %sub3A_63 {strides = array<i32>} : memref<576x256xf32, #tpu.memory_space<vmem>>, vector<576x256xf32>,
    %get3A_67 = arith.constant 0 : index
    %get3A_68 = arith.constant 0 : index
    %get3A_69 = arith.constant 0 : index
    %get3A_70 = vector.load %arg3[%get3A_67, %get3A_68, %get3A_69] : memref<1x8192x256xf32, #tpu.memory_space<vmem>>, vector<1x8192x256xf32>
    %get3A_71 = vector.shape_cast %get3A_70 : vector<1x8192x256xf32> to vector<8192x256xf32>
    %get3A_72 = arith.constant 0 : index
    %get3A_73 = arith.constant 0 : index
    %get3A_74 = arith.constant 0 : index
    %get3A_75 = vector.load %arg4[%get3A_72, %get3A_73, %get3A_74] : memref<1x1x8192xf32, #tpu.memory_space<vmem>>, vector<1x1x8192xf32>
    %get3A_76 = vector.shape_cast %get3A_75 : vector<1x1x8192xf32> to vector<1x8192xf32>
    %dot_general3A = arith.constant dense<0.000000e+00> : vector<576x8192xf32>
    %dot_general3A_77 = tpu.matmul %sub3A_63, %get3A_71, %dot_general3A {dimension_numbers = #tpu.dot_dimension_numbers<[1], [1], [0], [0], [0, 0, 1, 0], [], []>, transpose_lhs_hint = false} : vector<576x256xf32>, vector<8192x256xf32>, vector<576x8192xf32> -> vector<576x8192xf32>
    %mul3A_78 = arith.constant 2.000000e+00 : f32
    %mul3A_79 = vector.broadcast %mul3A_78 : f32 to vector<576x8192xf32>
    %mul3A_80 = arith.mulf %mul3A_79, %dot_general3A_77 : vector<576x8192xf32>
    %sub3A_81 = vector.broadcast %get3A_76 : vector<1x8192xf32> to vector<576x8192xf32>
    %sub3A_82 = arith.subf %sub3A_81, %mul3A_80 : vector<576x8192xf32>
    %argmin3A = tpu.reduce_index %sub3A_82 {axis = 1 : i32, kind = #tpu.reduction_kind<arg_min>} : vector<576x8192xf32> -> vector<576xi32>
    %reshape3A = vector.shape_cast %argmin3A : vector<576xi32> to vector<576x1xi32>
    %add3A_83 = arith.constant 16384 : i32
    %add3A_84 = vector.broadcast %add3A_83 : i32 to vector<576x1xi32>
    %add3A_85 = arith.addi %reshape3A, %add3A_84 : vector<576x1xi32>
    %swap3A_86 = arith.constant 0 : index
    %swap3A_87 = arith.constant 0 : index
    %swap3A_88 = vector.load %arg5[%swap3A_86, %swap3A_87] : memref<576x1xi32, #tpu.memory_space<vmem>>, vector<576x1xi32>
    tpu.vector_store %arg5[%swap3A_86, %swap3A_87], %add3A_85 {strides = array<i32>} : memref<576x1xi32, #tpu.memory_space<vmem>>, vector<576x1xi32>,
    %eq3A_89 = arith.constant 3 : i32
    %eq3A_90 = arith.cmpi eq, %arg0, %eq3A_89 : i32
    %convert_element_type3A_91 = arith.extui %eq3A_90 : i1 to i32
    %cond3A_92 = arith.constant 0 : i32
    %cond3A_93 = arith.cmpi ne, %convert_element_type3A_91, %cond3A_92 : i32
    scf.if %cond3A_93 {
      %get3A_94 = arith.constant 0 : index
      %get3A_95 = arith.constant 0 : index
      %get3A_96 = vector.load %arg8[%get3A_94, %get3A_95] : memref<1x1xf32, #tpu.memory_space<vmem>>, vector<1x1xf32>
      %swap3A_97 = arith.constant 0 : index
      %swap3A_98 = arith.constant 0 : index
      %swap3A_99 = vector.load %arg7[%swap3A_97, %swap3A_98] : memref<1x1xf32, #tpu.memory_space<vmem>>, vector<1x1xf32>
      tpu.vector_store %arg7[%swap3A_97, %swap3A_98], %get3A_96 {strides = array<i32>} : memref<1x1xf32, #tpu.memory_space<vmem>>, vector<1x1xf32>,
    } else {
    }
    return
  }
  func.func @transform_0(%arg0: i32) -> (i32, i32) {
    %c0_i32 = arith.constant 0 : i32
    %c0_i32_0 = arith.constant 0 : i32
    return %arg0, %c0_i32 : i32, i32
  }
  func.func @transform_1(%arg0: i32) -> (i32, i32) {
    %c0_i32 = arith.constant 0 : i32
    %c0_i32_0 = arith.constant 0 : i32
    return %arg0, %c0_i32 : i32, i32
  }
  func.func @transform_2(%arg0: i32) -> (i32, i32, i32) {
    %c2_i32 = arith.constant 2 : i32
    %c0_i32 = arith.constant 0 : i32
    %c0_i32_0 = arith.constant 0 : i32
    %c0_i32_1 = arith.constant 0 : i32
    return %c2_i32, %c0_i32, %c0_i32_0 : i32, i32, i32
  }
  func.func @transform_3(%arg0: i32) -> (i32, i32, i32) {
    %c2_i32 = arith.constant 2 : i32
    %c0_i32 = arith.constant 0 : i32
    %c0_i32_0 = arith.constant 0 : i32
    %c0_i32_1 = arith.constant 0 : i32
    return %c2_i32, %c0_i32, %c0_i32_0 : i32, i32, i32
  }
  func.func @transform_4(%arg0: i32) -> (i32, i32) {
    %c0_i32 = arith.constant 0 : i32
    %c0_i32_0 = arith.constant 0 : i32
    return %arg0, %c0_i32 : i32, i32
  }
  func.func @transform_5(%arg0: i32) -> (i32, i32) {
    %c0_i32 = arith.constant 0 : i32
    %c0_i32_0 = arith.constant 0 : i32
    return %arg0, %c0_i32 : i32, i32
  }
  func.func @transform_6(%arg0: i32) -> (i32, i32) {
    %c0_i32 = arith.constant 0 : i32
    %c0_i32_0 = arith.constant 0 : i32
    %c0_i32_1 = arith.constant 0 : i32
    return %c0_i32, %c0_i32_0 : i32, i32
  }
}

module attributes {stable_mosaic.version = 14 : i64} {
  func.func @body(%arg0: i32, %arg1: memref<576x256xf32, #tpu.memory_space<vmem>>, %arg2: memref<576x256xf32, #tpu.memory_space<vmem>>, %arg3: memref<1x8192x256xf32, #tpu.memory_space<vmem>>, %arg4: memref<1x1x8192xf32, #tpu.memory_space<vmem>>, %arg5: memref<576x1xi32, #tpu.memory_space<vmem>>, %arg6: memref<576x256xf32, #tpu.memory_space<vmem>>, %arg7: memref<1x1xf32, #tpu.memory_space<vmem>>, %arg8: memref<1x1xf32, #tpu.memory_space<vmem>>) attributes {dimension_semantics = [#tpu.dimension_semantics<arbitrary>], iteration_bounds = array<i64: 4>, scalar_prefetch = 0 : i64, scratch_operands = 1 : i64, tpu.core_type = #tpu.core_type<tc>, window_params = [{transform_indices = @transform_0, window_bounds = array<i64: 576, 256>}, {transform_indices = @transform_1, window_bounds = array<i64: 576, 256>}, {transform_indices = @transform_2, window_bounds = array<i64: 1, 8192, 256>}, {transform_indices = @transform_3, window_bounds = array<i64: 1, 1, 8192>}, {transform_indices = @transform_4, window_bounds = array<i64: 576, 1>}, {transform_indices = @transform_5, window_bounds = array<i64: 576, 256>}, {pipeline_mode = #tpu.pipeline_mode<synchronous>, transform_indices = @transform_6, window_bounds = array<i64: 1, 1>}]} {
    %eq3A = arith.constant 0 : i32
    %eq3A_0 = arith.cmpi eq, %arg0, %eq3A : i32
    %convert_element_type3A = arith.extui %eq3A_0 : i1 to i32
    %cond3A = arith.constant 0 : i32
    %cond3A_1 = arith.cmpi ne, %convert_element_type3A, %cond3A : i32
    scf.if %cond3A_1 {
      %broadcast_in_dim3A_94 = arith.constant 0.000000e+00 : f32
      %broadcast_in_dim3A_95 = vector.broadcast %broadcast_in_dim3A_94 : f32 to vector<1x1xf32>
      %swap3A_96 = arith.constant 0 : index
      %swap3A_97 = arith.constant 0 : index
      %swap3A_98 = vector.load %arg8[%swap3A_96, %swap3A_97] : memref<1x1xf32, #tpu.memory_space<vmem>>, vector<1x1xf32>
      tpu.vector_store %arg8[%swap3A_96, %swap3A_97], %broadcast_in_dim3A_95 {strides = array<i32>} : memref<1x1xf32, #tpu.memory_space<vmem>>, vector<1x1xf32>,
    } else {
    }
    %get3A = arith.constant 0 : index
    %get3A_2 = arith.constant 0 : index
    %get3A_3 = vector.load %arg1[%get3A, %get3A_2] : memref<576x256xf32, #tpu.memory_space<vmem>>, vector<576x256xf32>
    %get3A_4 = arith.constant 0 : index
    %get3A_5 = arith.constant 0 : index
    %get3A_6 = vector.load %arg2[%get3A_4, %get3A_5] : memref<576x256xf32, #tpu.memory_space<vmem>>, vector<576x256xf32>
    %get3A_7 = arith.constant 0 : index
    %get3A_8 = arith.constant 0 : index
    %get3A_9 = vector.load %arg8[%get3A_7, %get3A_8] : memref<1x1xf32, #tpu.memory_space<vmem>>, vector<1x1xf32>
    %sub3A = arith.subf %get3A_6, %get3A_3 : vector<576x256xf32>
    %integer_pow3A = arith.mulf %sub3A, %sub3A : vector<576x256xf32>
    %reduce_sum3A = vector.shape_cast %integer_pow3A : vector<576x256xf32> to vector<1x576x256xf32>
    %reduce_sum3A_10 = arith.constant dense<0.000000e+00> : vector<1xf32>
    %reduce_sum3A_11 = vector.multi_reduction <add>, %reduce_sum3A, %reduce_sum3A_10 [1, 2] : vector<1x576x256xf32> to vector<1xf32>
    %reduce_sum3A_12 = vector.shape_cast %reduce_sum3A_11 : vector<1xf32> to vector<1x1x1xf32>
    %reduce_sum3A_13 = vector.extract %reduce_sum3A_12[0, 0, 0] : f32 from vector<1x1x1xf32>
    %broadcast_in_dim3A = vector.broadcast %reduce_sum3A_13 : f32 to vector<1x1xf32>
    %add3A = arith.addf %get3A_9, %broadcast_in_dim3A : vector<1x1xf32>
    %swap3A = arith.constant 0 : index
    %swap3A_14 = arith.constant 0 : index
    %swap3A_15 = vector.load %arg8[%swap3A, %swap3A_14] : memref<1x1xf32, #tpu.memory_space<vmem>>, vector<1x1xf32>
    tpu.vector_store %arg8[%swap3A, %swap3A_14], %add3A {strides = array<i32>} : memref<1x1xf32, #tpu.memory_space<vmem>>, vector<1x1xf32>,
    %mul3A = arith.mulf %get3A_3, %get3A_3 : vector<576x256xf32>
    %reduce_sum3A_16 = arith.constant dense<0.000000e+00> : vector<576xf32>
    %reduce_sum3A_17 = vector.multi_reduction <add>, %mul3A, %reduce_sum3A_16 [1] : vector<576x256xf32> to vector<576xf32>
    %broadcast_in_dim3A_18 = vector.shape_cast %reduce_sum3A_17 : vector<576xf32> to vector<576x1xf32>
    %sqrt3A = math.sqrt %broadcast_in_dim3A_18 : vector<576x1xf32>
    %max3A = arith.constant 9.99999997E-7 : f32
    %max3A_19 = vector.broadcast %max3A : f32 to vector<576x1xf32>
    %max3A_20 = arith.maximumf %sqrt3A, %max3A_19 : vector<576x1xf32>
    %div3A = vector.broadcast %max3A_20 : vector<576x1xf32> to vector<576x256xf32>
    %div3A_21 = arith.divf %get3A_3, %div3A : vector<576x256xf32>
    %mul3A_22 = arith.mulf %get3A_6, %get3A_6 : vector<576x256xf32>
    %reduce_sum3A_23 = arith.constant dense<0.000000e+00> : vector<576xf32>
    %reduce_sum3A_24 = vector.multi_reduction <add>, %mul3A_22, %reduce_sum3A_23 [1] : vector<576x256xf32> to vector<576xf32>
    %broadcast_in_dim3A_25 = vector.shape_cast %reduce_sum3A_24 : vector<576xf32> to vector<576x1xf32>
    %sqrt3A_26 = math.sqrt %broadcast_in_dim3A_25 : vector<576x1xf32>
    %max3A_27 = arith.constant 9.99999997E-7 : f32
    %max3A_28 = vector.broadcast %max3A_27 : f32 to vector<576x1xf32>
    %max3A_29 = arith.maximumf %sqrt3A_26, %max3A_28 : vector<576x1xf32>
    %div3A_30 = vector.broadcast %max3A_29 : vector<576x1xf32> to vector<576x256xf32>
    %div3A_31 = arith.divf %get3A_6, %div3A_30 : vector<576x256xf32>
    %add3A_32 = arith.addf %div3A_21, %div3A_31 : vector<576x256xf32>
    %mul3A_33 = arith.mulf %add3A_32, %add3A_32 : vector<576x256xf32>
    %reduce_sum3A_34 = arith.constant dense<0.000000e+00> : vector<576xf32>
    %reduce_sum3A_35 = vector.multi_reduction <add>, %mul3A_33, %reduce_sum3A_34 [1] : vector<576x256xf32> to vector<576xf32>
    %broadcast_in_dim3A_36 = vector.shape_cast %reduce_sum3A_35 : vector<576xf32> to vector<576x1xf32>
    %sqrt3A_37 = math.sqrt %broadcast_in_dim3A_36 : vector<576x1xf32>
    %max3A_38 = arith.constant 9.99999997E-7 : f32
    %max3A_39 = vector.broadcast %max3A_38 : f32 to vector<576x1xf32>
    %max3A_40 = arith.maximumf %sqrt3A_37, %max3A_39 : vector<576x1xf32>
    %div3A_41 = vector.broadcast %max3A_40 : vector<576x1xf32> to vector<576x256xf32>
    %div3A_42 = arith.divf %add3A_32, %div3A_41 : vector<576x256xf32>
    %mul3A_43 = arith.mulf %get3A_3, %div3A_42 : vector<576x256xf32>
    %reduce_sum3A_44 = arith.constant dense<0.000000e+00> : vector<576xf32>
    %reduce_sum3A_45 = vector.multi_reduction <add>, %mul3A_43, %reduce_sum3A_44 [1] : vector<576x256xf32> to vector<576xf32>
    %broadcast_in_dim3A_46 = vector.shape_cast %reduce_sum3A_45 : vector<576xf32> to vector<576x1xf32>
    %mul3A_47 = arith.mulf %get3A_3, %div3A_21 : vector<576x256xf32>
    %reduce_sum3A_48 = arith.constant dense<0.000000e+00> : vector<576xf32>
    %reduce_sum3A_49 = vector.multi_reduction <add>, %mul3A_47, %reduce_sum3A_48 [1] : vector<576x256xf32> to vector<576xf32>
    %broadcast_in_dim3A_50 = vector.shape_cast %reduce_sum3A_49 : vector<576xf32> to vector<576x1xf32>
    %mul3A_51 = arith.constant 2.000000e+00 : f32
    %mul3A_52 = vector.broadcast %mul3A_51 : f32 to vector<576x1xf32>
    %mul3A_53 = arith.mulf %mul3A_52, %broadcast_in_dim3A_46 : vector<576x1xf32>
    %mul3A_54 = vector.broadcast %mul3A_53 : vector<576x1xf32> to vector<576x256xf32>
    %mul3A_55 = arith.mulf %mul3A_54, %div3A_42 : vector<576x256xf32>
    %sub3A_56 = arith.subf %get3A_3, %mul3A_55 : vector<576x256xf32>
    %mul3A_57 = arith.constant 2.000000e+00 : f32
    %mul3A_58 = vector.broadcast %mul3A_57 : f32 to vector<576x1xf32>
    %mul3A_59 = arith.mulf %mul3A_58, %broadcast_in_dim3A_50 : vector<576x1xf32>
    %mul3A_60 = vector.broadcast %mul3A_59 : vector<576x1xf32> to vector<576x256xf32>
    %mul3A_61 = arith.mulf %mul3A_60, %div3A_31 : vector<576x256xf32>
    %add3A_62 = arith.addf %sub3A_56, %mul3A_61 : vector<576x256xf32>
    %sub3A_63 = arith.subf %get3A_3, %add3A_62 : vector<576x256xf32>
    %swap3A_64 = arith.constant 0 : index
    %swap3A_65 = arith.constant 0 : index
    %swap3A_66 = vector.load %arg6[%swap3A_64, %swap3A_65] : memref<576x256xf32, #tpu.memory_space<vmem>>, vector<576x256xf32>
    tpu.vector_store %arg6[%swap3A_64, %swap3A_65], %sub3A_63 {strides = array<i32>} : memref<576x256xf32, #tpu.memory_space<vmem>>, vector<576x256xf32>,
    %get3A_67 = arith.constant 0 : index
    %get3A_68 = arith.constant 0 : index
    %get3A_69 = arith.constant 0 : index
    %get3A_70 = vector.load %arg3[%get3A_67, %get3A_68, %get3A_69] : memref<1x8192x256xf32, #tpu.memory_space<vmem>>, vector<1x8192x256xf32>
    %get3A_71 = vector.shape_cast %get3A_70 : vector<1x8192x256xf32> to vector<8192x256xf32>
    %get3A_72 = arith.constant 0 : index
    %get3A_73 = arith.constant 0 : index
    %get3A_74 = arith.constant 0 : index
    %get3A_75 = vector.load %arg4[%get3A_72, %get3A_73, %get3A_74] : memref<1x1x8192xf32, #tpu.memory_space<vmem>>, vector<1x1x8192xf32>
    %get3A_76 = vector.shape_cast %get3A_75 : vector<1x1x8192xf32> to vector<1x8192xf32>
    %dot_general3A = arith.constant dense<0.000000e+00> : vector<576x8192xf32>
    %dot_general3A_77 = tpu.matmul %sub3A_63, %get3A_71, %dot_general3A {dimension_numbers = #tpu.dot_dimension_numbers<[1], [1], [0], [0], [0, 0, 1, 0], [], []>, transpose_lhs_hint = false} : vector<576x256xf32>, vector<8192x256xf32>, vector<576x8192xf32> -> vector<576x8192xf32>
    %mul3A_78 = arith.constant 2.000000e+00 : f32
    %mul3A_79 = vector.broadcast %mul3A_78 : f32 to vector<576x8192xf32>
    %mul3A_80 = arith.mulf %mul3A_79, %dot_general3A_77 : vector<576x8192xf32>
    %sub3A_81 = vector.broadcast %get3A_76 : vector<1x8192xf32> to vector<576x8192xf32>
    %sub3A_82 = arith.subf %sub3A_81, %mul3A_80 : vector<576x8192xf32>
    %argmin3A = tpu.reduce_index %sub3A_82 {axis = 1 : i32, kind = #tpu.reduction_kind<arg_min>} : vector<576x8192xf32> -> vector<576xi32>
    %reshape3A = vector.shape_cast %argmin3A : vector<576xi32> to vector<576x1xi32>
    %add3A_83 = arith.constant 24576 : i32
    %add3A_84 = vector.broadcast %add3A_83 : i32 to vector<576x1xi32>
    %add3A_85 = arith.addi %reshape3A, %add3A_84 : vector<576x1xi32>
    %swap3A_86 = arith.constant 0 : index
    %swap3A_87 = arith.constant 0 : index
    %swap3A_88 = vector.load %arg5[%swap3A_86, %swap3A_87] : memref<576x1xi32, #tpu.memory_space<vmem>>, vector<576x1xi32>
    tpu.vector_store %arg5[%swap3A_86, %swap3A_87], %add3A_85 {strides = array<i32>} : memref<576x1xi32, #tpu.memory_space<vmem>>, vector<576x1xi32>,
    %eq3A_89 = arith.constant 3 : i32
    %eq3A_90 = arith.cmpi eq, %arg0, %eq3A_89 : i32
    %convert_element_type3A_91 = arith.extui %eq3A_90 : i1 to i32
    %cond3A_92 = arith.constant 0 : i32
    %cond3A_93 = arith.cmpi ne, %convert_element_type3A_91, %cond3A_92 : i32
    scf.if %cond3A_93 {
      %get3A_94 = arith.constant 0 : index
      %get3A_95 = arith.constant 0 : index
      %get3A_96 = vector.load %arg8[%get3A_94, %get3A_95] : memref<1x1xf32, #tpu.memory_space<vmem>>, vector<1x1xf32>
      %swap3A_97 = arith.constant 0 : index
      %swap3A_98 = arith.constant 0 : index
      %swap3A_99 = vector.load %arg7[%swap3A_97, %swap3A_98] : memref<1x1xf32, #tpu.memory_space<vmem>>, vector<1x1xf32>
      tpu.vector_store %arg7[%swap3A_97, %swap3A_98], %get3A_96 {strides = array<i32>} : memref<1x1xf32, #tpu.memory_space<vmem>>, vector<1x1xf32>,
    } else {
    }
    return
  }
  func.func @transform_0(%arg0: i32) -> (i32, i32) {
    %c0_i32 = arith.constant 0 : i32
    %c0_i32_0 = arith.constant 0 : i32
    return %arg0, %c0_i32 : i32, i32
  }
  func.func @transform_1(%arg0: i32) -> (i32, i32) {
    %c0_i32 = arith.constant 0 : i32
    %c0_i32_0 = arith.constant 0 : i32
    return %arg0, %c0_i32 : i32, i32
  }
  func.func @transform_2(%arg0: i32) -> (i32, i32, i32) {
    %c3_i32 = arith.constant 3 : i32
    %c0_i32 = arith.constant 0 : i32
    %c0_i32_0 = arith.constant 0 : i32
    %c0_i32_1 = arith.constant 0 : i32
    return %c3_i32, %c0_i32, %c0_i32_0 : i32, i32, i32
  }
  func.func @transform_3(%arg0: i32) -> (i32, i32, i32) {
    %c3_i32 = arith.constant 3 : i32
    %c0_i32 = arith.constant 0 : i32
    %c0_i32_0 = arith.constant 0 : i32
    %c0_i32_1 = arith.constant 0 : i32
    return %c3_i32, %c0_i32, %c0_i32_0 : i32, i32, i32
  }
  func.func @transform_4(%arg0: i32) -> (i32, i32) {
    %c0_i32 = arith.constant 0 : i32
    %c0_i32_0 = arith.constant 0 : i32
    return %arg0, %c0_i32 : i32, i32
  }
  func.func @transform_5(%arg0: i32) -> (i32, i32) {
    %c0_i32 = arith.constant 0 : i32
    %c0_i32_0 = arith.constant 0 : i32
    return %arg0, %c0_i32 : i32, i32
  }
  func.func @transform_6(%arg0: i32) -> (i32, i32) {
    %c0_i32 = arith.constant 0 : i32
    %c0_i32_0 = arith.constant 0 : i32
    %c0_i32_1 = arith.constant 0 : i32
    return %c0_i32, %c0_i32_0 : i32, i32
  }
}

module attributes {stable_mosaic.version = 14 : i64} {
  func.func @_final_body(%arg0: i32, %arg1: memref<576x256xf32, #tpu.memory_space<vmem>>, %arg2: memref<576x256xf32, #tpu.memory_space<vmem>>, %arg3: memref<576x256xf32, #tpu.memory_space<vmem>>, %arg4: memref<576x256xf32, #tpu.memory_space<vmem>>, %arg5: memref<576x256xf32, #tpu.memory_space<vmem>>, %arg6: memref<8x8192xf32, #tpu.memory_space<vmem>>, %arg7: memref<1x1xf32, #tpu.memory_space<vmem>>, %arg8: memref<1x1xf32, #tpu.memory_space<vmem>>, %arg9: memref<1x1xf32, #tpu.memory_space<vmem>>, %arg10: memref<576x256xf32, #tpu.memory_space<vmem>>, %arg11: memref<1x1xf32, #tpu.memory_space<vmem>>, %arg12: memref<1x1xf32, #tpu.memory_space<vmem>>, %arg13: memref<1x1xf32, #tpu.memory_space<vmem>>, %arg14: memref<1x1xf32, #tpu.memory_space<vmem>>, %arg15: memref<1x1xf32, #tpu.memory_space<vmem>>) attributes {dimension_semantics = [#tpu.dimension_semantics<arbitrary>], iteration_bounds = array<i64: 4>, scalar_prefetch = 0 : i64, scratch_operands = 1 : i64, tpu.core_type = #tpu.core_type<tc>, window_params = [{transform_indices = @transform_0, window_bounds = array<i64: 576, 256>}, {transform_indices = @transform_1, window_bounds = array<i64: 576, 256>}, {transform_indices = @transform_2, window_bounds = array<i64: 576, 256>}, {transform_indices = @transform_3, window_bounds = array<i64: 576, 256>}, {transform_indices = @transform_4, window_bounds = array<i64: 576, 256>}, {pipeline_mode = #tpu.pipeline_mode<synchronous>, transform_indices = @transform_5, window_bounds = array<i64: 8, 8192>}, {pipeline_mode = #tpu.pipeline_mode<synchronous>, transform_indices = @transform_6, window_bounds = array<i64: 1, 1>}, {pipeline_mode = #tpu.pipeline_mode<synchronous>, transform_indices = @transform_7, window_bounds = array<i64: 1, 1>}, {pipeline_mode = #tpu.pipeline_mode<synchronous>, transform_indices = @transform_8, window_bounds = array<i64: 1, 1>}, {transform_indices = @transform_9, window_bounds = array<i64: 576, 256>}, {pipeline_mode = #tpu.pipeline_mode<synchronous>, transform_indices = @transform_10, window_bounds = array<i64: 1, 1>}, {pipeline_mode = #tpu.pipeline_mode<synchronous>, transform_indices = @transform_11, window_bounds = array<i64: 1, 1>}, {pipeline_mode = #tpu.pipeline_mode<synchronous>, transform_indices = @transform_12, window_bounds = array<i64: 1, 1>}, {pipeline_mode = #tpu.pipeline_mode<synchronous>, transform_indices = @transform_13, window_bounds = array<i64: 1, 1>}]} {
    %eq3A = arith.constant 0 : i32
    %eq3A_0 = arith.cmpi eq, %arg0, %eq3A : i32
    %convert_element_type3A = arith.extui %eq3A_0 : i1 to i32
    %cond3A = arith.constant 0 : i32
    %cond3A_1 = arith.cmpi ne, %convert_element_type3A, %cond3A : i32
    scf.if %cond3A_1 {
      %broadcast_in_dim3A_36 = arith.constant 0.000000e+00 : f32
      %broadcast_in_dim3A_37 = vector.broadcast %broadcast_in_dim3A_36 : f32 to vector<1x1xf32>
      %swap3A_38 = arith.constant 0 : index
      %swap3A_39 = arith.constant 0 : index
      %swap3A_40 = vector.load %arg15[%swap3A_38, %swap3A_39] : memref<1x1xf32, #tpu.memory_space<vmem>>, vector<1x1xf32>
      tpu.vector_store %arg15[%swap3A_38, %swap3A_39], %broadcast_in_dim3A_37 {strides = array<i32>} : memref<1x1xf32, #tpu.memory_space<vmem>>, vector<1x1xf32>,
    } else {
    }
    %get3A = arith.constant 0 : index
    %get3A_2 = arith.constant 0 : index
    %get3A_3 = vector.load %arg5[%get3A, %get3A_2] : memref<576x256xf32, #tpu.memory_space<vmem>>, vector<576x256xf32>
    %get3A_4 = arith.constant 0 : index
    %get3A_5 = arith.constant 0 : index
    %get3A_6 = vector.load %arg1[%get3A_4, %get3A_5] : memref<576x256xf32, #tpu.memory_space<vmem>>, vector<576x256xf32>
    %get3A_7 = arith.constant 0 : index
    %get3A_8 = arith.constant 0 : index
    %get3A_9 = vector.load %arg15[%get3A_7, %get3A_8] : memref<1x1xf32, #tpu.memory_space<vmem>>, vector<1x1xf32>
    %sub3A = arith.subf %get3A_3, %get3A_6 : vector<576x256xf32>
    %integer_pow3A = arith.mulf %sub3A, %sub3A : vector<576x256xf32>
    %reduce_sum3A = vector.shape_cast %integer_pow3A : vector<576x256xf32> to vector<1x576x256xf32>
    %reduce_sum3A_10 = arith.constant dense<0.000000e+00> : vector<1xf32>
    %reduce_sum3A_11 = vector.multi_reduction <add>, %reduce_sum3A, %reduce_sum3A_10 [1, 2] : vector<1x576x256xf32> to vector<1xf32>
    %reduce_sum3A_12 = vector.shape_cast %reduce_sum3A_11 : vector<1xf32> to vector<1x1x1xf32>
    %reduce_sum3A_13 = vector.extract %reduce_sum3A_12[0, 0, 0] : f32 from vector<1x1x1xf32>
    %broadcast_in_dim3A = vector.broadcast %reduce_sum3A_13 : f32 to vector<1x1xf32>
    %add3A = arith.addf %get3A_9, %broadcast_in_dim3A : vector<1x1xf32>
    %swap3A = arith.constant 0 : index
    %swap3A_14 = arith.constant 0 : index
    %swap3A_15 = vector.load %arg15[%swap3A, %swap3A_14] : memref<1x1xf32, #tpu.memory_space<vmem>>, vector<1x1xf32>
    tpu.vector_store %arg15[%swap3A, %swap3A_14], %add3A {strides = array<i32>} : memref<1x1xf32, #tpu.memory_space<vmem>>, vector<1x1xf32>,
    %get3A_16 = arith.constant 0 : index
    %get3A_17 = arith.constant 0 : index
    %get3A_18 = vector.load %arg2[%get3A_16, %get3A_17] : memref<576x256xf32, #tpu.memory_space<vmem>>, vector<576x256xf32>
    %get3A_19 = arith.constant 0 : index
    %get3A_20 = arith.constant 0 : index
    %get3A_21 = vector.load %arg3[%get3A_19, %get3A_20] : memref<576x256xf32, #tpu.memory_space<vmem>>, vector<576x256xf32>
    %add3A_22 = arith.addf %get3A_18, %get3A_21 : vector<576x256xf32>
    %get3A_23 = arith.constant 0 : index
    %get3A_24 = arith.constant 0 : index
    %get3A_25 = vector.load %arg4[%get3A_23, %get3A_24] : memref<576x256xf32, #tpu.memory_space<vmem>>, vector<576x256xf32>
    %add3A_26 = arith.addf %add3A_22, %get3A_25 : vector<576x256xf32>
    %add3A_27 = arith.addf %add3A_26, %get3A_3 : vector<576x256xf32>
    %swap3A_28 = arith.constant 0 : index
    %swap3A_29 = arith.constant 0 : index
    %swap3A_30 = vector.load %arg10[%swap3A_28, %swap3A_29] : memref<576x256xf32, #tpu.memory_space<vmem>>, vector<576x256xf32>
    tpu.vector_store %arg10[%swap3A_28, %swap3A_29], %add3A_27 {strides = array<i32>} : memref<576x256xf32, #tpu.memory_space<vmem>>, vector<576x256xf32>,
    %eq3A_31 = arith.constant 3 : i32
    %eq3A_32 = arith.cmpi eq, %arg0, %eq3A_31 : i32
    %convert_element_type3A_33 = arith.extui %eq3A_32 : i1 to i32
    %cond3A_34 = arith.constant 0 : i32
    %cond3A_35 = arith.cmpi ne, %convert_element_type3A_33, %cond3A_34 : i32
    scf.if %cond3A_35 {
      %get3A_36 = arith.constant 0 : index
      %get3A_37 = arith.constant 0 : index
      %get3A_38 = vector.load %arg7[%get3A_36, %get3A_37] : memref<1x1xf32, #tpu.memory_space<vmem>>, vector<1x1xf32>
      %get3A_39 = arith.constant 0 : index
      %get3A_40 = arith.constant 0 : index
      %get3A_41 = vector.load %arg8[%get3A_39, %get3A_40] : memref<1x1xf32, #tpu.memory_space<vmem>>, vector<1x1xf32>
      %add3A_42 = arith.addf %get3A_38, %get3A_41 : vector<1x1xf32>
      %get3A_43 = arith.constant 0 : index
      %get3A_44 = arith.constant 0 : index
      %get3A_45 = vector.load %arg9[%get3A_43, %get3A_44] : memref<1x1xf32, #tpu.memory_space<vmem>>, vector<1x1xf32>
      %add3A_46 = arith.addf %add3A_42, %get3A_45 : vector<1x1xf32>
      %get3A_47 = arith.constant 0 : index
      %get3A_48 = arith.constant 0 : index
      %get3A_49 = vector.load %arg15[%get3A_47, %get3A_48] : memref<1x1xf32, #tpu.memory_space<vmem>>, vector<1x1xf32>
      %add3A_50 = arith.addf %add3A_46, %get3A_49 : vector<1x1xf32>
      %div3A = arith.constant 5.898240e+05 : f32
      %div3A_51 = vector.broadcast %div3A : f32 to vector<1x1xf32>
      %div3A_52 = arith.divf %add3A_50, %div3A_51 : vector<1x1xf32>
      %get3A_53 = arith.constant 0 : index
      %get3A_54 = arith.constant 0 : index
      %get3A_55 = vector.load %arg6[%get3A_53, %get3A_54] : memref<8x8192xf32, #tpu.memory_space<vmem>>, vector<8x8192xf32>
      %reduce_sum3A_56 = arith.constant dense<0.000000e+00> : vector<8192xf32>
      %reduce_sum3A_57 = vector.multi_reduction <add>, %get3A_55, %reduce_sum3A_56 [0] : vector<8x8192xf32> to vector<8192xf32>
      %broadcast_in_dim3A_58 = vector.shape_cast %reduce_sum3A_57 : vector<8192xf32> to vector<1x8192xf32>
      %div3A_59 = arith.constant 9.216000e+03 : f32
      %div3A_60 = vector.broadcast %div3A_59 : f32 to vector<1x8192xf32>
      %div3A_61 = arith.divf %broadcast_in_dim3A_58, %div3A_60 : vector<1x8192xf32>
      %gt3A = arith.constant 0.000000e+00 : f32
      %gt3A_62 = vector.broadcast %gt3A : f32 to vector<1x8192xf32>
      %gt3A_63 = arith.cmpf ogt, %div3A_61, %gt3A_62 : vector<1x8192xf32>
      %jit3A = arith.constant 1.000000e+00 : f32
      %broadcast_in_dim3A_64 = vector.broadcast %jit3A : f32 to vector<1x8192xf32>
      %select_n3A = arith.select %gt3A_63, %div3A_61, %broadcast_in_dim3A_64 : vector<1x8192xi1>, vector<1x8192xf32>
      %gt3A_65 = arith.constant 0.000000e+00 : f32
      %gt3A_66 = vector.broadcast %gt3A_65 : f32 to vector<1x8192xf32>
      %gt3A_67 = arith.cmpf ogt, %div3A_61, %gt3A_66 : vector<1x8192xf32>
      %log3A = math.log %select_n3A : vector<1x8192xf32>
      %mul3A = arith.mulf %div3A_61, %log3A : vector<1x8192xf32>
      %jit3A_68 = arith.constant 0.000000e+00 : f32
      %broadcast_in_dim3A_69 = vector.broadcast %jit3A_68 : f32 to vector<1x8192xf32>
      %select_n3A_70 = arith.select %gt3A_67, %mul3A, %broadcast_in_dim3A_69 : vector<1x8192xi1>, vector<1x8192xf32>
      %reduce_sum3A_71 = vector.shape_cast %select_n3A_70 : vector<1x8192xf32> to vector<1x1x8192xf32>
      %reduce_sum3A_72 = arith.constant dense<0.000000e+00> : vector<1xf32>
      %reduce_sum3A_73 = vector.multi_reduction <add>, %reduce_sum3A_71, %reduce_sum3A_72 [1, 2] : vector<1x1x8192xf32> to vector<1xf32>
      %reduce_sum3A_74 = vector.shape_cast %reduce_sum3A_73 : vector<1xf32> to vector<1x1x1xf32>
      %reduce_sum3A_75 = vector.extract %reduce_sum3A_74[0, 0, 0] : f32 from vector<1x1x1xf32>
      %broadcast_in_dim3A_76 = vector.broadcast %reduce_sum3A_75 : f32 to vector<1x1xf32>
      %neg3A = arith.constant 0.000000e+00 : f32
      %neg3A_77 = vector.broadcast %neg3A : f32 to vector<1x1xf32>
      %neg3A_78 = arith.subf %neg3A_77, %broadcast_in_dim3A_76 : vector<1x1xf32>
      %mul3A_79 = arith.constant 1.250000e+00 : f32
      %mul3A_80 = vector.broadcast %mul3A_79 : f32 to vector<1x1xf32>
      %mul3A_81 = arith.mulf %div3A_52, %mul3A_80 : vector<1x1xf32>
      %swap3A_82 = arith.constant 0 : index
      %swap3A_83 = arith.constant 0 : index
      %swap3A_84 = vector.load %arg11[%swap3A_82, %swap3A_83] : memref<1x1xf32, #tpu.memory_space<vmem>>, vector<1x1xf32>
      tpu.vector_store %arg11[%swap3A_82, %swap3A_83], %mul3A_81 {strides = array<i32>} : memref<1x1xf32, #tpu.memory_space<vmem>>, vector<1x1xf32>,
      %swap3A_85 = arith.constant 0 : index
      %swap3A_86 = arith.constant 0 : index
      %swap3A_87 = vector.load %arg12[%swap3A_85, %swap3A_86] : memref<1x1xf32, #tpu.memory_space<vmem>>, vector<1x1xf32>
      tpu.vector_store %arg12[%swap3A_85, %swap3A_86], %div3A_52 {strides = array<i32>} : memref<1x1xf32, #tpu.memory_space<vmem>>, vector<1x1xf32>,
      %swap3A_88 = arith.constant 0 : index
      %swap3A_89 = arith.constant 0 : index
      %swap3A_90 = vector.load %arg13[%swap3A_88, %swap3A_89] : memref<1x1xf32, #tpu.memory_space<vmem>>, vector<1x1xf32>
      tpu.vector_store %arg13[%swap3A_88, %swap3A_89], %div3A_52 {strides = array<i32>} : memref<1x1xf32, #tpu.memory_space<vmem>>, vector<1x1xf32>,
      %exp3A = math.exp %neg3A_78 : vector<1x1xf32>
      %swap3A_91 = arith.constant 0 : index
      %swap3A_92 = arith.constant 0 : index
      %swap3A_93 = vector.load %arg14[%swap3A_91, %swap3A_92] : memref<1x1xf32, #tpu.memory_space<vmem>>, vector<1x1xf32>
      tpu.vector_store %arg14[%swap3A_91, %swap3A_92], %exp3A {strides = array<i32>} : memref<1x1xf32, #tpu.memory_space<vmem>>, vector<1x1xf32>,
    } else {
    }
    return
  }
  func.func @transform_0(%arg0: i32) -> (i32, i32) {
    %c0_i32 = arith.constant 0 : i32
    %c0_i32_0 = arith.constant 0 : i32
    return %arg0, %c0_i32 : i32, i32
  }
  func.func @transform_1(%arg0: i32) -> (i32, i32) {
    %c0_i32 = arith.constant 0 : i32
    %c0_i32_0 = arith.constant 0 : i32
    return %arg0, %c0_i32 : i32, i32
  }
  func.func @transform_2(%arg0: i32) -> (i32, i32) {
    %c0_i32 = arith.constant 0 : i32
    %c0_i32_0 = arith.constant 0 : i32
    return %arg0, %c0_i32 : i32, i32
  }
  func.func @transform_3(%arg0: i32) -> (i32, i32) {
    %c0_i32 = arith.constant 0 : i32
    %c0_i32_0 = arith.constant 0 : i32
    return %arg0, %c0_i32 : i32, i32
  }
  func.func @transform_4(%arg0: i32) -> (i32, i32) {
    %c0_i32 = arith.constant 0 : i32
    %c0_i32_0 = arith.constant 0 : i32
    return %arg0, %c0_i32 : i32, i32
  }
  func.func @transform_5(%arg0: i32) -> (i32, i32) {
    %c0_i32 = arith.constant 0 : i32
    %c0_i32_0 = arith.constant 0 : i32
    %c0_i32_1 = arith.constant 0 : i32
    return %c0_i32, %c0_i32_0 : i32, i32
  }
  func.func @transform_6(%arg0: i32) -> (i32, i32) {
    %c0_i32 = arith.constant 0 : i32
    %c0_i32_0 = arith.constant 0 : i32
    %c0_i32_1 = arith.constant 0 : i32
    return %c0_i32, %c0_i32_0 : i32, i32
  }
  func.func @transform_7(%arg0: i32) -> (i32, i32) {
    %c0_i32 = arith.constant 0 : i32
    %c0_i32_0 = arith.constant 0 : i32
    %c0_i32_1 = arith.constant 0 : i32
    return %c0_i32, %c0_i32_0 : i32, i32
  }
  func.func @transform_8(%arg0: i32) -> (i32, i32) {
    %c0_i32 = arith.constant 0 : i32
    %c0_i32_0 = arith.constant 0 : i32
    %c0_i32_1 = arith.constant 0 : i32
    return %c0_i32, %c0_i32_0 : i32, i32
  }
  func.func @transform_9(%arg0: i32) -> (i32, i32) {
    %c0_i32 = arith.constant 0 : i32
    %c0_i32_0 = arith.constant 0 : i32
    return %arg0, %c0_i32 : i32, i32
  }
  func.func @transform_10(%arg0: i32) -> (i32, i32) {
    %c0_i32 = arith.constant 0 : i32
    %c0_i32_0 = arith.constant 0 : i32
    %c0_i32_1 = arith.constant 0 : i32
    return %c0_i32, %c0_i32_0 : i32, i32
  }
  func.func @transform_11(%arg0: i32) -> (i32, i32) {
    %c0_i32 = arith.constant 0 : i32
    %c0_i32_0 = arith.constant 0 : i32
    %c0_i32_1 = arith.constant 0 : i32
    return %c0_i32, %c0_i32_0 : i32, i32
  }
  func.func @transform_12(%arg0: i32) -> (i32, i32) {
    %c0_i32 = arith.constant 0 : i32
    %c0_i32_0 = arith.constant 0 : i32
    %c0_i32_1 = arith.constant 0 : i32
    return %c0_i32, %c0_i32_0 : i32, i32
  }
  func.func @transform_13(%arg0: i32) -> (i32, i32) {
    %c0_i32 = arith.constant 0 : i32
    %c0_i32_0 = arith.constant 0 : i32
    %c0_i32_1 = arith.constant 0 : i32
    return %c0_i32, %c0_i32_0 : i32, i32
  }
}

</mosaic_0001>

<sc_bundles>
// kernel: kernel.12.cloned.1.call-start
scs
__scs_entry_jumppad:
0x0: {  	(pc) =	sbr.rel $0x88, $3  }
0x1: {  	(tag) =	ssettag $0x0;
	lr =	simm.s32 $0x1  }
0x2: {  	[smem:$0x3F9F] =	sst lr;
	_ =	strace $0xD0000000  }
0x3: {  	_ = 	snop  }
0x4: {  	_ = 	snop  }
0x5: {  	_ = 	snop  }
0x6: {  	_ = 	snop  }
0x7: {  	_ = 	snop  }
__scs_overlays_trampoline_lowered:
0x8: {  	[smem:$0x3FAE] =	sst s0  }
0x9: {  	[smem:$0x3FAF] =	sst s1  }
0xa: {  	[smem:$0x3FB0] =	sst s2  }
0xb: {  	[smem:$0x3FB1] =	sst s3  }
0xc: {  	[smem:$0x3FB2] =	sst s4  }
0xd: {  	[smem:$0x3FB3] =	sst s5  }
0xe: {  	[smem:$0x3FB4] =	sst s6  }
0xf: {  	[smem:$0x3FB5] =	sst s7  }
0x10: {  	[smem:$0x3FB6] =	sst s8  }
0x11: {  	[smem:$0x3FB7] =	sst s9;
	s0 =	simm.s32 @!p0 $0x0  }
0x12: {  	s1 =	sld [smem:$0x3F9D];
	s0 =	simm.s32 @p0 $0x1  }
0x13: {  	[smem:$0x3FB8] =	sst s0;
	s0 =	simm.s32 @!p1 $0x0  }
0x14: {  	s2 =	sld [smem:$0x3F9C];
	s0 =	simm.s32 @p1 $0x1  }
0x15: {  	[smem:$0x3FB9] =	sst s0;
	s0 =	simm.s32 @!p2 $0x0  }
0x16: {  	s3 =	sld [smem:$0x3FDB];
	s0 =	simm.s32 @p2 $0x1  }
0x17: {  	s4 =	simm.s32 $0x1BF5;
	[smem:$0x3FBB] =	sst s0  }
0x18: {  	s0 =	sld [smem:$0x3F9E];
	_ =	swait.ge [sflag:s4], $0x0  }
0x19: {  	s7 =	sld [smem:$0x3F9F]  }
0x1a: {  	s8 =	sadd.s32 $0xFFFFE003, lr  }
0x1b: {  	s9 =	sadd.s32 $0xFFFFFEF7, lr;
	s5 =	simm.s32 $0xFFFFFFFF;
	p2 =	slt.u32 s8, $0xFFFFF086  }
0x1c: {  	p1 =	slt.u32 s9, $0xF7A;
	s5 =	simm.s32 @!p2 $0x0  }
0x1d: {  	s5 =	simm.s32 @p1 $0x1;
	p0 =	seq.s32 s7, s2  }
0x1e: {  	s7 =	smul.u32 @!p0 $0xF7A, s2;
	p2 =	seq.s32 @!p0 s5, $0x0  }
0x1f: {  	s9 =	smul.u32 $0xF7A, s1;
	s8 =	simm.s32 @!p0 $0x1BF5;
	p2 =	por !p2, p0  }
0x20: {  	[sflag:s8] =	ssyncset.s32 @!p0 $0xFFFFF086;
	s6 =	sadd.s32 @!p0 s3, s7;
	s7 =	simm.s32 @!p0 $0x108  }
0x21: {  	s3 =	sadd.s32 s3, s9;
	s6 =	sadd.s32 @!p0 $0x88, s6;
	s7 =	simm.s32 @p2 $0x1082  }
0x22: {  	[simem:s7], [sflag:s8] =	dma.local @!p0 [hbm:s6], $0xF7A  }
0x23: {  	s9 =	sor.u32 $0xD0000000, s2;
	s6 =	simm.s32 $0x108;
	_ =	swait.ge @!p0 [sflag:s8], $0x0  }
0x24: {  	s3 =	sadd.s32 $0x88, s3;
	s6 =	simm.s32 @!p1 $0x1082;
	[sflag:s4] =	ssyncset.s32 $0xFFFFF086  }
0x25: {  	[simem:s6], [sflag:s4] =	dma.local [hbm:s3], $0xF7A  }
0x26: {  	[smem:$0x3F9F] =	sst s1;
	(tag) =	ssettag s2;
	_ =	strace s9  }
0x27: {  	s1 =	sld [smem:$0x3FAF]  }
0x28: {  	s2 =	sld [smem:$0x3FB0]  }
0x29: {  	s4 =	sld [smem:$0x3FB2]  }
0x2a: {  	p0 =	seq.s32 s5, $0x0;
	s5 =	sld [smem:$0x3FB3]  }
0x2b: {  	s6 =	sld [smem:$0x3FB4]  }
0x2c: {  	s7 =	sld [smem:$0x3FB5]  }
0x2d: {  	s3 =	simm.s32 $0x108;
	s8 =	sld [smem:$0x3FB6]  }
0x2e: {  	s3 =	simm.s32 @!p0 $0x1082;
	s9 =	sld [smem:$0x3FB7]  }
0x2f: {  	lr =	sadd.s32 s0, s3;
	s0 =	sld [smem:$0x3FAE]  }
0x30: {  	s3 =	sld [smem:$0x3FB1]  }
0x31: {  	[smem:$0x3FBA] =	sst s10  }
0x32: {  	s10 =	sld [smem:$0x3FB8];
	_ =	sdelay $0x3  }
0x33: {  	p0 =	seq.s32 s10, $0x1;
	s10 =	sld [smem:$0x3FBA];
	_ =	sdelay $0x3  }
0x34: {  	[smem:$0x3FBA] =	sst s10  }
0x35: {  	s10 =	sld [smem:$0x3FB9];
	_ =	sdelay $0x3  }
0x36: {  	p1 =	seq.s32 s10, $0x1;
	s10 =	sld [smem:$0x3FBA];
	_ =	sdelay $0x3  }
0x37: {  	[smem:$0x3FBA] =	sst s10  }
0x38: {  	s10 =	sld [smem:$0x3FBB]  }
0x39: {  	_ = 	snop;
	(pc) =	sbr.ind lr, $3  }
0x3a: {  	_ = 	snop  }
0x3b: {  	_ = 	snop  }
0x3c: {  	p2 =	seq.s32 s10, $0x1;
	s10 =	sld [smem:$0x3FBA]  }
0x3d: {  	_ =	shalt  }
0x3e: {  	_ =	shalt  }
0x3f: {  	_ =	shalt  }
0x40: {  	_ =	shalt  }
0x41: {  	_ =	shalt  }
0x42: {  	_ =	shalt  }
0x43: {  	_ =	shalt  }
0x44: {  	_ =	shalt  }
0x45: {  	_ =	shalt  }
0x46: {  	_ =	shalt  }
0x47: {  	_ =	shalt  }
0x48: {  	_ =	shalt  }
0x49: {  	_ =	shalt  }
0x4a: {  	_ =	shalt  }
0x4b: {  	_ =	shalt  }
0x4c: {  	_ =	shalt  }
0x4d: {  	_ =	shalt  }
0x4e: {  	_ =	shalt  }
0x4f: {  	_ =	shalt  }
0x50: {  	_ =	shalt  }
0x51: {  	_ =	shalt  }
0x52: {  	_ =	shalt  }
0x53: {  	_ =	shalt  }
0x54: {  	_ =	shalt  }
0x55: {  	_ =	shalt  }
0x56: {  	_ =	shalt  }
0x57: {  	_ =	shalt  }
0x58: {  	_ =	shalt  }
0x59: {  	_ =	shalt  }
0x5a: {  	_ =	shalt  }
0x5b: {  	_ =	shalt  }
0x5c: {  	_ =	shalt  }
0x5d: {  	_ =	shalt  }
0x5e: {  	_ =	shalt  }
0x5f: {  	_ =	shalt  }
0x60: {  	_ =	shalt  }
0x61: {  	_ =	shalt  }
0x62: {  	_ =	shalt  }
0x63: {  	_ =	shalt  }
0x64: {  	_ =	shalt  }
0x65: {  	_ =	shalt  }
0x66: {  	_ =	shalt  }
0x67: {  	_ =	shalt  }
0x68: {  	_ =	shalt  }
0x69: {  	_ =	shalt  }
0x6a: {  	_ =	shalt  }
0x6b: {  	_ =	shalt  }
0x6c: {  	_ =	shalt  }
0x6d: {  	_ =	shalt  }
0x6e: {  	_ =	shalt  }
0x6f: {  	_ =	shalt  }
0x70: {  	_ =	shalt  }
0x71: {  	_ =	shalt  }
0x72: {  	_ =	shalt  }
0x73: {  	_ =	shalt  }
0x74: {  	_ =	shalt  }
0x75: {  	_ =	shalt  }
0x76: {  	_ =	shalt  }
0x77: {  	_ =	shalt  }
0x78: {  	_ =	shalt  }
0x79: {  	_ =	shalt  }
0x7a: {  	_ =	shalt  }
0x7b: {  	_ =	shalt  }
0x7c: {  	_ =	shalt  }
0x7d: {  	_ =	shalt  }
0x7e: {  	_ =	shalt  }
0x7f: {  	_ =	shalt  }
0x80: {  	_ =	shalt  }
0x81: {  	_ =	shalt  }
0x82: {  	_ =	shalt  }
0x83: {  	_ =	shalt  }
0x84: {  	_ =	shalt  }
0x85: {  	_ =	shalt  }
0x86: {  	_ =	shalt  }
0x87: {  	_ =	shalt  }
.Lfunc_end0:
.L_simem_size_0:
called_computation_lowered:
.L_overlay_start_0:
0x88: {  	s2 =	sld [smem:$0x3FD9]  }
0x89: {  	s3 =	sld [smem:$0x3FFE];
	_ =	sdelay $0x1  }
0x8a: {  	s1 =	srdreg.scid  }
0x8b: {  	s0 =	sand.u32 $0x1, s1  }
0x8c: {  	s17 =	sshll.u32 s0, $0xA;
	s2 =	sadd.s32 s3, s2  }
0x8d: {  	s2 =	sadd.s32 s2, s17  }
0x8e: {  	[smem:$0x3FC6] =	sst s2  }
0x8f: {  	_ = 	snop  }
0x90: {  	s2 =	sld [smem:$0x3FC8];
	(tm) =	ssettm $0x1  }
0x91: {  	s18 =	sld [smem:$0x3FFB];
	_ =	sdelay $0x3  }
0x92: {  	_ =	strace s18  }
0x93: {  	s3 =	sld [smem:$0x3FFC];
	_ =	sdelay $0x3  }
0x94: {  	_ =	strace s3  }
0x95: {  	s3 =	sld [smem:$0x3FFD];
	_ =	sdelay $0x3  }
0x96: {  	_ =	strace s3  }
0x97: {  	_ =	strace $0x8FFFFFFF  }
0x98: {  	s19 =	sld [smem:$0x3FDB];
	_ =	sdelay $0x1  }
0x99: {  	s4 =	simm.s32 $_scs_section_size  }
0x9a: {  	s5 =	simm.s32 $_size__tile_overlayer_lowered;
	s6 =	simm.s32 $_tile_overlayer_lowered  }
0x9b: {  	s22 =	simm.s32 $0x1BFF;
	s21 =	sshll.u32 s6, $0x1;
	s3 =	sadd.s32 s4, s19  }
0x9c: {  	s7 =	simm.s32 $0x0;
	s20 =	sshll.u32 s5, $0x1;
	s5 =	sadd.s32 s21, s3  }
0x9d: {  	[timem:s7], [sflag:s22] =	dma.local [hbm:s5], s20  }
0x9e: {  	_ =	swait.ge [sflag:s22], s20  }
0x9f: {  	s4 =	ssub.s32 $0x0, s20;
	[sflag:s22] =	ssyncset.done $0x0  }
0xa0: {  	[sflag:s22] =	ssyncadd.s32 s4;
	_ =	sdelay $0x1  }
0xa1: {  	s23 =	simm.s32 $0x1B8B  }
0xa2: {  	_ =	swait.ge [sflag:s23], $0x1  }
0xa3: {  	[sflag:s23] =	ssyncset.done $0x0  }
0xa4: {  	s25 =	simm.s32 $0x1B8E;
	s24 =	sld [smem:$0x3FFE];
	[sflag:s23] =	ssyncadd.s32 $0xFFFFFFFF  }
0xa5: {  	s26 =	simm.s32 $execute0_lowered;
	[smem:$0x3FD2] =	sst s25  }
0xa6: {  	s5 =	sshll.u32 s26, $0x1;
	_ =	strace $0x80000046;
	[dreg:$0x1] =	wrdreg $0xFFFFFFFF  }
0xa7: {  	s28 =	simm.s32 $_size_execute0_lowered;
	s3 =	sadd.s32 s3, s5;
	[dreg:$0x0] =	wrdreg $0x0  }
0xa8: {  	s5 =	sshll.u32 s28, $0x1;
	[dreg:$0x2] =	wrdreg s3  }
0xa9: {  	[dreg:$0x3] =	wrdreg s5  }
0xaa: {  	[dreg:$0x4] =	wrdreg $0xC0  }
0xab: {  	_ =	task [dreg:s7], $0x5FFFF  }
0xac: {  	[dreg:$0x1] =	wrdreg $0xFFFFFFFF  }
0xad: {  	[dreg:$0x0] =	wrdreg $0x60  }
0xae: {  	[dreg:$0x2] =	wrdreg s2  }
0xaf: {  	[dreg:$0x3] =	wrdreg s24  }
0xb0: {  	[dreg:$0x4] =	wrdreg $0x9  }
0xb1: {  	_ =	task.clear_ibuf [dreg:s7], $0x5FFFF;
	_ =	strace $0x90000046  }
0xb2: {  	s29 =	simm.s32 $0x9;
	_ =	strace $0x80000048  }
0xb3: {  	_ =	swait.ge [sflag:s29], $0x1  }
0xb4: {  	[sflag:s29] =	ssyncadd.s32 $0xFFFFFFFF  }
0xb5: {  	_ =	strace $0x90000048  }
0xb6: {  	_ =	sfence  }
0xb7: {  	s30 =	sld [smem:$0x0];
	_ =	sdelay $0x2  }
0xb8: {  	s31 =	sshll.u32 s1, $0xD;
	s1 =	sshrl.u32 s1, $0x2  }
0xb9: {  	s3 =	sand.u32 $0x4000, s31;
	s1 =	sadd.s32 s1, s30  }
0xba: {  	s0 =	sor.u32 s3, s0;
	s1 =	sshll.u32 s1, $0x11  }
0xbb: {  	s0 =	sor.u32 s1, s0  }
0xbc: {  	s0 =	sadd.s32 $0x8F2B, s0  }
0xbd: {  	[sflag:s0] =	ssyncadd.remote.s32 $0x1  }
0xbe: {  	_ =	sfence.sel $0xFFFF  }
0xbf: {  	[dreg:$0x0] =	wrdreg $0xFFFFFFFF;
	(pc) =	sbr.abs _section_cstart, $3  }
0xc0: {  	[dreg:$0x1] =	wrdreg $0xFFFFFFFF  }
0xc1: {  	_ =	task.clear_ibuf [dreg:s7], $0x2FFFF;
	_ =	strace $0x9FFFFFFF  }
0xc2: {  	(tm) =	ssettm $0x7FFFFFFF  }
0xc3: {  	_ =	shalt  }
tec
execute0_lowered:
.L_overlay_start_1:
0x0: {  	(tag) =	ssettag $0x1  }
0x1: {  	s1 =	srdreg.scid;
	s2 =	rddreg [dreg:$0x0]  }
0x2: {  	s0 =	stileid.u32;
	s5 =	rddreg [dreg:$0x1];
	s3 =	simm.s32 $0x0  }
0x3: {  	s8 =	simm.s32 $0x80;
	s9 =	simm.s32 $0x880;
	s10 =	simm.s32 $0x1080  }
0x4: {  	s11 =	simm.s32 $0x1880;
	s12 =	simm.s32 $0x2080;
	s13 =	simm.s32 $0x2880  }
0x5: {  	s14 =	simm.s32 $0x3080;
	s4 =	sand.u32 $0x1, s1;
	s30 =	sshll.u32 s0, $0x1  }
0x6: {  	s15 =	simm.s32 $0x3880;
	s16 =	simm.s32 $0x4080;
	s6 =	sor.u32 s4, s30  }
0x7: {  	s17 =	simm.s32 $0x1;
	s1 =	rddreg [dreg:$0x2];
	s7 =	smul.u32 $0x9, s6  }
0x8: {  	[smem:$0x7FF] =	sst s3;
	s4 =	ssub.s32 $0x2, s4;
	s6 =	smul.u32 $0x900, s6  }
0x9: {  	v2 =	vlaneseq.u32;
	_ =	strace $0x80000047;
	s31 =	sshrl.u32 s4, $0x1;
	s7 =	sadd.s32 s7, s5  }
0xa: {  	vm0 =	vmmov $0xffff;
	v1 =	vshrl.u32 v2, $0x3;
	s5 =	sadd.s32 s6, s5;
	s6 =	ssub.s32 s4, s31;
	s4 =	sadd.s32 $0x1800, s7  }
0xb: {  	v0 =	vand.u32 $0x7, v2;
	v2 =	vor.u32 $0x8, v2;
	v1 =	vmul.u32 $0x8, v1;
	s5 =	sadd.s32 $0x1A00, s5;
	s6 =	smax.u32 s6, $0x1;
	s7 =	simm.s32 $0x2  }
.LBB2_1:
0xc: {  	[tilespmem:s3], [sflag:$0x2] =	stream.linear.gather [hbm4b:s4+s3], $0x48, $0x38;
	[tilespmem:$0x4880] =	vst v63  }
0xd: {  	_ =	swait.ge [sflag:s7], $0x48  }
0xe: {  	[sflag:s7] =	ssyncset.done $0x0  }
0xf: {  	[sflag:s7] =	ssyncadd.s32 $0xFFFFFFB8  }
0x10: {  	v3 =	vld [tilespmem:$0x0];
	_ =	sdelay $0x4  }
0x11: {  	v4 =	vshll.u32 v3, $0x1  }
0x12: {  	v3 =	vand.u32 $0x7, v3;
	v4 =	vand.u32 $0xFFFFFFF0, v4  }
0x13: {  	v3 =	vor.u32 v3, v4  }
0x14: {  	v4 =	vperm.xlane v3, v0;
	_ =	sdelay $0x1  }
0x15: {  	v3 =	vperm.xlane v3, v2;
	v4 =	vadd.s32 v1, v4;
	_ =	sdelay $0x1  }
0x16: {  	v3 =	vadd.s32 v1, v3;
	_ =	sdelay $0x2  }
0x17: {  	[tilespmem:s8], [sflag:$0x1] =	stream.indirect_vreg.gather [hbm4b:s2+s3], $0x80, v4, vm0, $0xb8;
	[tilespmem:$0x4880] =	vst v63  }
0x18: {  	_ = 	snop  }
0x19: {  	[tilespmem:s9], [sflag:$0x1] =	stream.indirect_vreg.gather [hbm4b:s2+s3], $0x80, v3, vm0, $0xb8;
	[tilespmem:$0x4880] =	vst v63  }
0x1a: {  	v3 =	vld [tilespmem:$0x10];
	_ =	sdelay $0x4  }
0x1b: {  	v60 =	vshll.u32 v3, $0x1  }
0x1c: {  	v3 =	vand.u32 $0x7, v3;
	v4 =	vand.u32 $0xFFFFFFF0, v60  }
0x1d: {  	v3 =	vor.u32 v3, v4  }
0x1e: {  	v4 =	vperm.xlane v3, v0;
	_ =	sdelay $0x1  }
0x1f: {  	v3 =	vperm.xlane v3, v2;
	v4 =	vadd.s32 v1, v4;
	_ =	sdelay $0x1  }
0x20: {  	v3 =	vadd.s32 v1, v3;
	_ =	sdelay $0x2  }
0x21: {  	[tilespmem:s10], [sflag:$0x1] =	stream.indirect_vreg.gather [hbm4b:s2+s3], $0x80, v4, vm0, $0xb8;
	[tilespmem:$0x4880] =	vst v63  }
0x22: {  	_ = 	snop  }
0x23: {  	[tilespmem:s11], [sflag:$0x1] =	stream.indirect_vreg.gather [hbm4b:s2+s3], $0x80, v3, vm0, $0xb8;
	[tilespmem:$0x4880] =	vst v63  }
0x24: {  	v3 =	vld [tilespmem:$0x20];
	_ =	sdelay $0x4  }
0x25: {  	v61 =	vshll.u32 v3, $0x1  }
0x26: {  	v3 =	vand.u32 $0x7, v3;
	v4 =	vand.u32 $0xFFFFFFF0, v61  }
0x27: {  	v3 =	vor.u32 v3, v4  }
0x28: {  	v4 =	vperm.xlane v3, v0;
	_ =	sdelay $0x1  }
0x29: {  	v3 =	vperm.xlane v3, v2;
	v4 =	vadd.s32 v1, v4;
	_ =	sdelay $0x1  }
0x2a: {  	v3 =	vadd.s32 v1, v3;
	_ =	sdelay $0x2  }
0x2b: {  	[tilespmem:s12], [sflag:$0x1] =	stream.indirect_vreg.gather [hbm4b:s2+s3], $0x80, v4, vm0, $0xb8;
	[tilespmem:$0x4880] =	vst v63  }
0x2c: {  	_ = 	snop  }
0x2d: {  	[tilespmem:s13], [sflag:$0x1] =	stream.indirect_vreg.gather [hbm4b:s2+s3], $0x80, v3, vm0, $0xb8;
	[tilespmem:$0x4880] =	vst v63  }
0x2e: {  	v3 =	vld [tilespmem:$0x30];
	_ =	sdelay $0x4  }
0x2f: {  	v62 =	vshll.u32 v3, $0x1  }
0x30: {  	v3 =	vand.u32 $0x7, v3;
	v4 =	vand.u32 $0xFFFFFFF0, v62  }
0x31: {  	v3 =	vor.u32 v3, v4  }
0x32: {  	v4 =	vperm.xlane v3, v0;
	_ =	sdelay $0x1  }
0x33: {  	v3 =	vperm.xlane v3, v2;
	v4 =	vadd.s32 v1, v4;
	_ =	sdelay $0x1  }
0x34: {  	v3 =	vadd.s32 v1, v3;
	_ =	sdelay $0x2  }
0x35: {  	[tilespmem:s14], [sflag:$0x1] =	stream.indirect_vreg.gather [hbm4b:s2+s3], $0x80, v4, vm0, $0xb8;
	[tilespmem:$0x4880] =	vst v63  }
0x36: {  	_ = 	snop  }
0x37: {  	[tilespmem:s15], [sflag:$0x1] =	stream.indirect_vreg.gather [hbm4b:s2+s3], $0x80, v3, vm0, $0xb8;
	[tilespmem:$0x4880] =	vst v63  }
0x38: {  	v3 =	vld.msk [tilespmem:$0x40], $0xff;
	_ =	sdelay $0x4  }
0x39: {  	v63 =	vshll.u32 v3, $0x1  }
0x3a: {  	v3 =	vand.u32 $0x7, v3;
	v4 =	vand.u32 $0xFFFFFFF0, v63  }
0x3b: {  	v3 =	vor.u32 v3, v4  }
0x3c: {  	v3 =	vperm.xlane v3, v0;
	_ =	sdelay $0x1  }
0x3d: {  	v3 =	vadd.s32 v1, v3;
	_ =	sdelay $0x4  }
0x3e: {  	[tilespmem:s16], [sflag:$0x1] =	stream.indirect_vreg.gather [hbm4b:s2+s3], $0x80, v3, vm0, $0xb8;
	[tilespmem:$0x4880] =	vst v63  }
0x3f: {  	_ =	swait.ge [sflag:s17], $0x4800  }
0x40: {  	p0 =	sne.s32 s6, $0x1;
	[sflag:s17] =	ssyncset.done $0x0  }
.Ltmp0:
0x41: {  	[sflag:s17] =	ssyncadd.s32 $0xFFFFB800;
	(pc) =	sbr.rel @p0 .LBB2_1-.Ltmp0, $4  }
0x42: {  	[hbm4b:s5+s3] =	stream.linear.scatter [tilespmem:s8], [sflag:$0x2], $0x4800, $0x38;
	[tilespmem:$0x4880] =	vst v63  }
0x43: {  	_ =	swait.ge [sflag:s7], $0x4800  }
0x44: {  	[sflag:s7] =	ssyncset.done $0x0  }
0x45: {  	s6 =	sadd.s32 $0xFFFFFFFF, s6;
	[sflag:s7] =	ssyncadd.s32 $0xFFFFB800  }
0x46: {  	_ =	sfence.sel $0x180000  }
0x47: {  	[bflag:$0x0] =	sbarrier.arrive $0xFFFF  }
0x48: {  	p0 =	sne.s32 s0, $0x0;
	_ =	strace $0x90000047  }
0x49: {  	s0 =	sadd.s32 @!p0 $0x100000, s1;
	[bflag:$0x2] =	sbarrier.arrive $0xFFFF  }
0x4a: {  	[sflag:s0] =	ssyncadd.tile.s32 @!p0 $0x1;
	_ =	shalt  }
.Lfunc_end2:
_tile_overlayer_lowered:
.L_overlay_start_2:
0x4b: {  	(tag) =	ssettag $0x2  }
0x4c: {  	s0 =	rddreg [dreg:$0x0];
	s2 =	stileid.u32  }
0x4d: {  	s1 =	rddreg [dreg:$0x1];
	p0 =	sne.s32 s2, $0x0  }
0x4e: {  	s3 =	rddreg [dreg:$0x2];
	[bflag:$0x3] =	sbarrier.arrive $0xFFFF;
	s2 =	simm.s32 @!p0 $0x1C02  }
0x4f: {  	[timem:s3], [sflag:s2] =	dma.local @!p0 [hbm:s0], s1  }
0x50: {  	s0 =	simm.s32 @!p0 $0x2  }
0x51: {  	_ =	swait.ge @!p0 [sflag:s0], s1  }
0x52: {  	s1 =	ssub.s32 @!p0 $0x0, s1;
	[sflag:s0] =	ssyncset.done @!p0 $0x0  }
0x53: {  	[sflag:s0] =	ssyncadd.s32 @!p0 s1  }
0x54: {  	[bflag:$0x3] =	sbarrier.arrive $0xFFFF  }
0x55: {  	_ =	shalt  }

// kernel: kernel.15.cloned.1.call-start
scs
__scs_entry_jumppad:
0x0: {  	(pc) =	sbr.rel $0x88, $3  }
0x1: {  	(tag) =	ssettag $0x0;
	lr =	simm.s32 $0x1  }
0x2: {  	[smem:$0x3F9F] =	sst lr;
	_ =	strace $0xD0000000  }
0x3: {  	_ = 	snop  }
0x4: {  	_ = 	snop  }
0x5: {  	_ = 	snop  }
0x6: {  	_ = 	snop  }
0x7: {  	_ = 	snop  }
__scs_overlays_trampoline_lowered:
0x8: {  	[smem:$0x3FAE] =	sst s0  }
0x9: {  	[smem:$0x3FAF] =	sst s1  }
0xa: {  	[smem:$0x3FB0] =	sst s2  }
0xb: {  	[smem:$0x3FB1] =	sst s3  }
0xc: {  	[smem:$0x3FB2] =	sst s4  }
0xd: {  	[smem:$0x3FB3] =	sst s5  }
0xe: {  	[smem:$0x3FB4] =	sst s6  }
0xf: {  	[smem:$0x3FB5] =	sst s7  }
0x10: {  	[smem:$0x3FB6] =	sst s8  }
0x11: {  	[smem:$0x3FB7] =	sst s9;
	s0 =	simm.s32 @!p0 $0x0  }
0x12: {  	s1 =	sld [smem:$0x3F9D];
	s0 =	simm.s32 @p0 $0x1  }
0x13: {  	[smem:$0x3FB8] =	sst s0;
	s0 =	simm.s32 @!p1 $0x0  }
0x14: {  	s2 =	sld [smem:$0x3F9C];
	s0 =	simm.s32 @p1 $0x1  }
0x15: {  	[smem:$0x3FB9] =	sst s0;
	s0 =	simm.s32 @!p2 $0x0  }
0x16: {  	s3 =	sld [smem:$0x3FDB];
	s0 =	simm.s32 @p2 $0x1  }
0x17: {  	s4 =	simm.s32 $0x1BF5;
	[smem:$0x3FBB] =	sst s0  }
0x18: {  	s0 =	sld [smem:$0x3F9E];
	_ =	swait.ge [sflag:s4], $0x0  }
0x19: {  	s7 =	sld [smem:$0x3F9F]  }
0x1a: {  	s8 =	sadd.s32 $0xFFFFE003, lr  }
0x1b: {  	s9 =	sadd.s32 $0xFFFFFEF7, lr;
	s5 =	simm.s32 $0xFFFFFFFF;
	p2 =	slt.u32 s8, $0xFFFFF086  }
0x1c: {  	p1 =	slt.u32 s9, $0xF7A;
	s5 =	simm.s32 @!p2 $0x0  }
0x1d: {  	s5 =	simm.s32 @p1 $0x1;
	p0 =	seq.s32 s7, s2  }
0x1e: {  	s7 =	smul.u32 @!p0 $0xF7A, s2;
	p2 =	seq.s32 @!p0 s5, $0x0  }
0x1f: {  	s9 =	smul.u32 $0xF7A, s1;
	s8 =	simm.s32 @!p0 $0x1BF5;
	p2 =	por !p2, p0  }
0x20: {  	[sflag:s8] =	ssyncset.s32 @!p0 $0xFFFFF086;
	s6 =	sadd.s32 @!p0 s3, s7;
	s7 =	simm.s32 @!p0 $0x108  }
0x21: {  	s3 =	sadd.s32 s3, s9;
	s6 =	sadd.s32 @!p0 $0x88, s6;
	s7 =	simm.s32 @p2 $0x1082  }
0x22: {  	[simem:s7], [sflag:s8] =	dma.local @!p0 [hbm:s6], $0xF7A  }
0x23: {  	s9 =	sor.u32 $0xD0000000, s2;
	s6 =	simm.s32 $0x108;
	_ =	swait.ge @!p0 [sflag:s8], $0x0  }
0x24: {  	s3 =	sadd.s32 $0x88, s3;
	s6 =	simm.s32 @!p1 $0x1082;
	[sflag:s4] =	ssyncset.s32 $0xFFFFF086  }
0x25: {  	[simem:s6], [sflag:s4] =	dma.local [hbm:s3], $0xF7A  }
0x26: {  	[smem:$0x3F9F] =	sst s1;
	(tag) =	ssettag s2;
	_ =	strace s9  }
0x27: {  	s1 =	sld [smem:$0x3FAF]  }
0x28: {  	s2 =	sld [smem:$0x3FB0]  }
0x29: {  	s4 =	sld [smem:$0x3FB2]  }
0x2a: {  	p0 =	seq.s32 s5, $0x0;
	s5 =	sld [smem:$0x3FB3]  }
0x2b: {  	s6 =	sld [smem:$0x3FB4]  }
0x2c: {  	s7 =	sld [smem:$0x3FB5]  }
0x2d: {  	s3 =	simm.s32 $0x108;
	s8 =	sld [smem:$0x3FB6]  }
0x2e: {  	s3 =	simm.s32 @!p0 $0x1082;
	s9 =	sld [smem:$0x3FB7]  }
0x2f: {  	lr =	sadd.s32 s0, s3;
	s0 =	sld [smem:$0x3FAE]  }
0x30: {  	s3 =	sld [smem:$0x3FB1]  }
0x31: {  	[smem:$0x3FBA] =	sst s10  }
0x32: {  	s10 =	sld [smem:$0x3FB8];
	_ =	sdelay $0x3  }
0x33: {  	p0 =	seq.s32 s10, $0x1;
	s10 =	sld [smem:$0x3FBA];
	_ =	sdelay $0x3  }
0x34: {  	[smem:$0x3FBA] =	sst s10  }
0x35: {  	s10 =	sld [smem:$0x3FB9];
	_ =	sdelay $0x3  }
0x36: {  	p1 =	seq.s32 s10, $0x1;
	s10 =	sld [smem:$0x3FBA];
	_ =	sdelay $0x3  }
0x37: {  	[smem:$0x3FBA] =	sst s10  }
0x38: {  	s10 =	sld [smem:$0x3FBB]  }
0x39: {  	_ = 	snop;
	(pc) =	sbr.ind lr, $3  }
0x3a: {  	_ = 	snop  }
0x3b: {  	_ = 	snop  }
0x3c: {  	p2 =	seq.s32 s10, $0x1;
	s10 =	sld [smem:$0x3FBA]  }
0x3d: {  	_ =	shalt  }
0x3e: {  	_ =	shalt  }
0x3f: {  	_ =	shalt  }
0x40: {  	_ =	shalt  }
0x41: {  	_ =	shalt  }
0x42: {  	_ =	shalt  }
0x43: {  	_ =	shalt  }
0x44: {  	_ =	shalt  }
0x45: {  	_ =	shalt  }
0x46: {  	_ =	shalt  }
0x47: {  	_ =	shalt  }
0x48: {  	_ =	shalt  }
0x49: {  	_ =	shalt  }
0x4a: {  	_ =	shalt  }
0x4b: {  	_ =	shalt  }
0x4c: {  	_ =	shalt  }
0x4d: {  	_ =	shalt  }
0x4e: {  	_ =	shalt  }
0x4f: {  	_ =	shalt  }
0x50: {  	_ =	shalt  }
0x51: {  	_ =	shalt  }
0x52: {  	_ =	shalt  }
0x53: {  	_ =	shalt  }
0x54: {  	_ =	shalt  }
0x55: {  	_ =	shalt  }
0x56: {  	_ =	shalt  }
0x57: {  	_ =	shalt  }
0x58: {  	_ =	shalt  }
0x59: {  	_ =	shalt  }
0x5a: {  	_ =	shalt  }
0x5b: {  	_ =	shalt  }
0x5c: {  	_ =	shalt  }
0x5d: {  	_ =	shalt  }
0x5e: {  	_ =	shalt  }
0x5f: {  	_ =	shalt  }
0x60: {  	_ =	shalt  }
0x61: {  	_ =	shalt  }
0x62: {  	_ =	shalt  }
0x63: {  	_ =	shalt  }
0x64: {  	_ =	shalt  }
0x65: {  	_ =	shalt  }
0x66: {  	_ =	shalt  }
0x67: {  	_ =	shalt  }
0x68: {  	_ =	shalt  }
0x69: {  	_ =	shalt  }
0x6a: {  	_ =	shalt  }
0x6b: {  	_ =	shalt  }
0x6c: {  	_ =	shalt  }
0x6d: {  	_ =	shalt  }
0x6e: {  	_ =	shalt  }
0x6f: {  	_ =	shalt  }
0x70: {  	_ =	shalt  }
0x71: {  	_ =	shalt  }
0x72: {  	_ =	shalt  }
0x73: {  	_ =	shalt  }
0x74: {  	_ =	shalt  }
0x75: {  	_ =	shalt  }
0x76: {  	_ =	shalt  }
0x77: {  	_ =	shalt  }
0x78: {  	_ =	shalt  }
0x79: {  	_ =	shalt  }
0x7a: {  	_ =	shalt  }
0x7b: {  	_ =	shalt  }
0x7c: {  	_ =	shalt  }
0x7d: {  	_ =	shalt  }
0x7e: {  	_ =	shalt  }
0x7f: {  	_ =	shalt  }
0x80: {  	_ =	shalt  }
0x81: {  	_ =	shalt  }
0x82: {  	_ =	shalt  }
0x83: {  	_ =	shalt  }
0x84: {  	_ =	shalt  }
0x85: {  	_ =	shalt  }
0x86: {  	_ =	shalt  }
0x87: {  	_ =	shalt  }
.Lfunc_end0:
.L_simem_size_0:
called_computation.1_lowered:
.L_overlay_start_0:
0x88: {  	s2 =	sld [smem:$0x3FD9]  }
0x89: {  	s3 =	sld [smem:$0x3FFE];
	_ =	sdelay $0x1  }
0x8a: {  	s1 =	srdreg.scid  }
0x8b: {  	s0 =	sand.u32 $0x1, s1  }
0x8c: {  	s17 =	sshll.u32 s0, $0xA;
	s2 =	sadd.s32 s3, s2  }
0x8d: {  	s2 =	sadd.s32 s2, s17  }
0x8e: {  	[smem:$0x3FC6] =	sst s2  }
0x8f: {  	_ = 	snop  }
0x90: {  	s2 =	sld [smem:$0x3FC8];
	(tm) =	ssettm $0x1  }
0x91: {  	s18 =	sld [smem:$0x3FFB];
	_ =	sdelay $0x3  }
0x92: {  	_ =	strace s18  }
0x93: {  	s3 =	sld [smem:$0x3FFC];
	_ =	sdelay $0x3  }
0x94: {  	_ =	strace s3  }
0x95: {  	s3 =	sld [smem:$0x3FFD];
	_ =	sdelay $0x3  }
0x96: {  	_ =	strace s3  }
0x97: {  	_ =	strace $0x8FFFFFFF  }
0x98: {  	s19 =	sld [smem:$0x3FDB];
	_ =	sdelay $0x1  }
0x99: {  	s4 =	simm.s32 $_scs_section_size  }
0x9a: {  	s5 =	simm.s32 $_size__tile_overlayer_lowered;
	s6 =	simm.s32 $_tile_overlayer_lowered  }
0x9b: {  	s22 =	simm.s32 $0x1BFF;
	s21 =	sshll.u32 s6, $0x1;
	s3 =	sadd.s32 s4, s19  }
0x9c: {  	s7 =	simm.s32 $0x0;
	s20 =	sshll.u32 s5, $0x1;
	s5 =	sadd.s32 s21, s3  }
0x9d: {  	[timem:s7], [sflag:s22] =	dma.local [hbm:s5], s20  }
0x9e: {  	_ =	swait.ge [sflag:s22], s20  }
0x9f: {  	s4 =	ssub.s32 $0x0, s20;
	[sflag:s22] =	ssyncset.done $0x0  }
0xa0: {  	[sflag:s22] =	ssyncadd.s32 s4;
	_ =	sdelay $0x1  }
0xa1: {  	s23 =	simm.s32 $0x1B8B  }
0xa2: {  	_ =	swait.ge [sflag:s23], $0x1  }
0xa3: {  	[sflag:s23] =	ssyncset.done $0x0  }
0xa4: {  	s25 =	simm.s32 $0x1B8E;
	s24 =	sld [smem:$0x3FFE];
	[sflag:s23] =	ssyncadd.s32 $0xFFFFFFFF  }
0xa5: {  	s26 =	simm.s32 $execute0_lowered;
	[smem:$0x3FD2] =	sst s25  }
0xa6: {  	s5 =	sshll.u32 s26, $0x1;
	_ =	strace $0x80000049;
	[dreg:$0x1] =	wrdreg $0xFFFFFFFF  }
0xa7: {  	s28 =	simm.s32 $_size_execute0_lowered;
	s3 =	sadd.s32 s3, s5;
	[dreg:$0x0] =	wrdreg $0x0  }
0xa8: {  	s5 =	sshll.u32 s28, $0x1;
	[dreg:$0x2] =	wrdreg s3  }
0xa9: {  	[dreg:$0x3] =	wrdreg s5  }
0xaa: {  	[dreg:$0x4] =	wrdreg $0xC0  }
0xab: {  	_ =	task [dreg:s7], $0x5FFFF  }
0xac: {  	[dreg:$0x1] =	wrdreg $0xFFFFFFFF  }
0xad: {  	[dreg:$0x0] =	wrdreg $0x60  }
0xae: {  	[dreg:$0x2] =	wrdreg s2  }
0xaf: {  	[dreg:$0x3] =	wrdreg s24  }
0xb0: {  	[dreg:$0x4] =	wrdreg $0x9  }
0xb1: {  	_ =	task.clear_ibuf [dreg:s7], $0x5FFFF;
	_ =	strace $0x90000049  }
0xb2: {  	s29 =	simm.s32 $0x9;
	_ =	strace $0x8000004B  }
0xb3: {  	_ =	swait.ge [sflag:s29], $0x1  }
0xb4: {  	[sflag:s29] =	ssyncadd.s32 $0xFFFFFFFF  }
0xb5: {  	_ =	strace $0x9000004B  }
0xb6: {  	_ =	sfence  }
0xb7: {  	s30 =	sld [smem:$0x0];
	_ =	sdelay $0x2  }
0xb8: {  	s31 =	sshll.u32 s1, $0xD;
	s1 =	sshrl.u32 s1, $0x2  }
0xb9: {  	s3 =	sand.u32 $0x4000, s31;
	s1 =	sadd.s32 s1, s30  }
0xba: {  	s0 =	sor.u32 s3, s0;
	s1 =	sshll.u32 s1, $0x11  }
0xbb: {  	s0 =	sor.u32 s1, s0  }
0xbc: {  	s0 =	sadd.s32 $0x8F2B, s0  }
0xbd: {  	[sflag:s0] =	ssyncadd.remote.s32 $0x1  }
0xbe: {  	_ =	sfence.sel $0xFFFF  }
0xbf: {  	[dreg:$0x0] =	wrdreg $0xFFFFFFFF;
	(pc) =	sbr.abs _section_cstart, $3  }
0xc0: {  	[dreg:$0x1] =	wrdreg $0xFFFFFFFF  }
0xc1: {  	_ =	task.clear_ibuf [dreg:s7], $0x2FFFF;
	_ =	strace $0x9FFFFFFF  }
0xc2: {  	(tm) =	ssettm $0x7FFFFFFF  }
0xc3: {  	_ =	shalt  }
tec
execute0_lowered:
.L_overlay_start_1:
0x0: {  	(tag) =	ssettag $0x1  }
0x1: {  	s1 =	srdreg.scid;
	s2 =	rddreg [dreg:$0x0]  }
0x2: {  	s0 =	stileid.u32;
	s5 =	rddreg [dreg:$0x1];
	s3 =	simm.s32 $0x0  }
0x3: {  	s8 =	simm.s32 $0x80;
	s9 =	simm.s32 $0x880;
	s10 =	simm.s32 $0x1080  }
0x4: {  	s11 =	simm.s32 $0x1880;
	s12 =	simm.s32 $0x2080;
	s13 =	simm.s32 $0x2880  }
0x5: {  	s14 =	simm.s32 $0x3080;
	s4 =	sand.u32 $0x1, s1;
	s30 =	sshll.u32 s0, $0x1  }
0x6: {  	s15 =	simm.s32 $0x3880;
	s16 =	simm.s32 $0x4080;
	s6 =	sor.u32 s4, s30  }
0x7: {  	s17 =	simm.s32 $0x1;
	s1 =	rddreg [dreg:$0x2];
	s7 =	smul.u32 $0x9, s6  }
0x8: {  	[smem:$0x7FF] =	sst s3;
	s4 =	ssub.s32 $0x2, s4;
	s6 =	smul.u32 $0x900, s6  }
0x9: {  	v2 =	vlaneseq.u32;
	_ =	strace $0x8000004A;
	s31 =	sshrl.u32 s4, $0x1;
	s7 =	sadd.s32 s7, s5  }
0xa: {  	vm0 =	vmmov $0xffff;
	v1 =	vshrl.u32 v2, $0x3;
	s5 =	sadd.s32 s6, s5;
	s6 =	ssub.s32 s4, s31;
	s4 =	sadd.s32 $0x13C00, s7  }
0xb: {  	v0 =	vand.u32 $0x7, v2;
	v2 =	vor.u32 $0x8, v2;
	v1 =	vmul.u32 $0x8, v1;
	s5 =	sadd.s32 $0x13E00, s5;
	s6 =	smax.u32 s6, $0x1;
	s7 =	simm.s32 $0x2  }
.LBB2_1:
0xc: {  	[tilespmem:s3], [sflag:$0x2] =	stream.linear.gather [hbm4b:s4+s3], $0x48, $0x38;
	[tilespmem:$0x4880] =	vst v63  }
0xd: {  	_ =	swait.ge [sflag:s7], $0x48  }
0xe: {  	[sflag:s7] =	ssyncset.done $0x0  }
0xf: {  	[sflag:s7] =	ssyncadd.s32 $0xFFFFFFB8  }
0x10: {  	v3 =	vld [tilespmem:$0x0];
	_ =	sdelay $0x4  }
0x11: {  	v4 =	vshll.u32 v3, $0x1  }
0x12: {  	v3 =	vand.u32 $0x7, v3;
	v4 =	vand.u32 $0xFFFFFFF0, v4  }
0x13: {  	v3 =	vor.u32 v3, v4  }
0x14: {  	v4 =	vperm.xlane v3, v0;
	_ =	sdelay $0x1  }
0x15: {  	v3 =	vperm.xlane v3, v2;
	v4 =	vadd.s32 v1, v4;
	_ =	sdelay $0x1  }
0x16: {  	v3 =	vadd.s32 v1, v3;
	_ =	sdelay $0x2  }
0x17: {  	[tilespmem:s8], [sflag:$0x1] =	stream.indirect_vreg.gather [hbm4b:s2+s3], $0x80, v4, vm0, $0xb8;
	[tilespmem:$0x4880] =	vst v63  }
0x18: {  	_ = 	snop  }
0x19: {  	[tilespmem:s9], [sflag:$0x1] =	stream.indirect_vreg.gather [hbm4b:s2+s3], $0x80, v3, vm0, $0xb8;
	[tilespmem:$0x4880] =	vst v63  }
0x1a: {  	v3 =	vld [tilespmem:$0x10];
	_ =	sdelay $0x4  }
0x1b: {  	v60 =	vshll.u32 v3, $0x1  }
0x1c: {  	v3 =	vand.u32 $0x7, v3;
	v4 =	vand.u32 $0xFFFFFFF0, v60  }
0x1d: {  	v3 =	vor.u32 v3, v4  }
0x1e: {  	v4 =	vperm.xlane v3, v0;
	_ =	sdelay $0x1  }
0x1f: {  	v3 =	vperm.xlane v3, v2;
	v4 =	vadd.s32 v1, v4;
	_ =	sdelay $0x1  }
0x20: {  	v3 =	vadd.s32 v1, v3;
	_ =	sdelay $0x2  }
0x21: {  	[tilespmem:s10], [sflag:$0x1] =	stream.indirect_vreg.gather [hbm4b:s2+s3], $0x80, v4, vm0, $0xb8;
	[tilespmem:$0x4880] =	vst v63  }
0x22: {  	_ = 	snop  }
0x23: {  	[tilespmem:s11], [sflag:$0x1] =	stream.indirect_vreg.gather [hbm4b:s2+s3], $0x80, v3, vm0, $0xb8;
	[tilespmem:$0x4880] =	vst v63  }
0x24: {  	v3 =	vld [tilespmem:$0x20];
	_ =	sdelay $0x4  }
0x25: {  	v61 =	vshll.u32 v3, $0x1  }
0x26: {  	v3 =	vand.u32 $0x7, v3;
	v4 =	vand.u32 $0xFFFFFFF0, v61  }
0x27: {  	v3 =	vor.u32 v3, v4  }
0x28: {  	v4 =	vperm.xlane v3, v0;
	_ =	sdelay $0x1  }
0x29: {  	v3 =	vperm.xlane v3, v2;
	v4 =	vadd.s32 v1, v4;
	_ =	sdelay $0x1  }
0x2a: {  	v3 =	vadd.s32 v1, v3;
	_ =	sdelay $0x2  }
0x2b: {  	[tilespmem:s12], [sflag:$0x1] =	stream.indirect_vreg.gather [hbm4b:s2+s3], $0x80, v4, vm0, $0xb8;
	[tilespmem:$0x4880] =	vst v63  }
0x2c: {  	_ = 	snop  }
0x2d: {  	[tilespmem:s13], [sflag:$0x1] =	stream.indirect_vreg.gather [hbm4b:s2+s3], $0x80, v3, vm0, $0xb8;
	[tilespmem:$0x4880] =	vst v63  }
0x2e: {  	v3 =	vld [tilespmem:$0x30];
	_ =	sdelay $0x4  }
0x2f: {  	v62 =	vshll.u32 v3, $0x1  }
0x30: {  	v3 =	vand.u32 $0x7, v3;
	v4 =	vand.u32 $0xFFFFFFF0, v62  }
0x31: {  	v3 =	vor.u32 v3, v4  }
0x32: {  	v4 =	vperm.xlane v3, v0;
	_ =	sdelay $0x1  }
0x33: {  	v3 =	vperm.xlane v3, v2;
	v4 =	vadd.s32 v1, v4;
	_ =	sdelay $0x1  }
0x34: {  	v3 =	vadd.s32 v1, v3;
	_ =	sdelay $0x2  }
0x35: {  	[tilespmem:s14], [sflag:$0x1] =	stream.indirect_vreg.gather [hbm4b:s2+s3], $0x80, v4, vm0, $0xb8;
	[tilespmem:$0x4880] =	vst v63  }
0x36: {  	_ = 	snop  }
0x37: {  	[tilespmem:s15], [sflag:$0x1] =	stream.indirect_vreg.gather [hbm4b:s2+s3], $0x80, v3, vm0, $0xb8;
	[tilespmem:$0x4880] =	vst v63  }
0x38: {  	v3 =	vld.msk [tilespmem:$0x40], $0xff;
	_ =	sdelay $0x4  }
0x39: {  	v63 =	vshll.u32 v3, $0x1  }
0x3a: {  	v3 =	vand.u32 $0x7, v3;
	v4 =	vand.u32 $0xFFFFFFF0, v63  }
0x3b: {  	v3 =	vor.u32 v3, v4  }
0x3c: {  	v3 =	vperm.xlane v3, v0;
	_ =	sdelay $0x1  }
0x3d: {  	v3 =	vadd.s32 v1, v3;
	_ =	sdelay $0x4  }
0x3e: {  	[tilespmem:s16], [sflag:$0x1] =	stream.indirect_vreg.gather [hbm4b:s2+s3], $0x80, v3, vm0, $0xb8;
	[tilespmem:$0x4880] =	vst v63  }
0x3f: {  	_ =	swait.ge [sflag:s17], $0x4800  }
0x40: {  	p0 =	sne.s32 s6, $0x1;
	[sflag:s17] =	ssyncset.done $0x0  }
.Ltmp0:
0x41: {  	[sflag:s17] =	ssyncadd.s32 $0xFFFFB800;
	(pc) =	sbr.rel @p0 .LBB2_1-.Ltmp0, $4  }
0x42: {  	[hbm4b:s5+s3] =	stream.linear.scatter [tilespmem:s8], [sflag:$0x2], $0x4800, $0x38;
	[tilespmem:$0x4880] =	vst v63  }
0x43: {  	_ =	swait.ge [sflag:s7], $0x4800  }
0x44: {  	[sflag:s7] =	ssyncset.done $0x0  }
0x45: {  	s6 =	sadd.s32 $0xFFFFFFFF, s6;
	[sflag:s7] =	ssyncadd.s32 $0xFFFFB800  }
0x46: {  	_ =	sfence.sel $0x180000  }
0x47: {  	[bflag:$0x0] =	sbarrier.arrive $0xFFFF  }
0x48: {  	p0 =	sne.s32 s0, $0x0;
	_ =	strace $0x9000004A  }
0x49: {  	s0 =	sadd.s32 @!p0 $0x100000, s1;
	[bflag:$0x2] =	sbarrier.arrive $0xFFFF  }
0x4a: {  	[sflag:s0] =	ssyncadd.tile.s32 @!p0 $0x1;
	_ =	shalt  }
.Lfunc_end2:
_tile_overlayer_lowered:
.L_overlay_start_2:
0x4b: {  	(tag) =	ssettag $0x2  }
0x4c: {  	s0 =	rddreg [dreg:$0x0];
	s2 =	stileid.u32  }
0x4d: {  	s1 =	rddreg [dreg:$0x1];
	p0 =	sne.s32 s2, $0x0  }
0x4e: {  	s3 =	rddreg [dreg:$0x2];
	[bflag:$0x3] =	sbarrier.arrive $0xFFFF;
	s2 =	simm.s32 @!p0 $0x1C02  }
0x4f: {  	[timem:s3], [sflag:s2] =	dma.local @!p0 [hbm:s0], s1  }
0x50: {  	s0 =	simm.s32 @!p0 $0x2  }
0x51: {  	_ =	swait.ge @!p0 [sflag:s0], s1  }
0x52: {  	s1 =	ssub.s32 @!p0 $0x0, s1;
	[sflag:s0] =	ssyncset.done @!p0 $0x0  }
0x53: {  	[sflag:s0] =	ssyncadd.s32 @!p0 s1  }
0x54: {  	[bflag:$0x3] =	sbarrier.arrive $0xFFFF  }
0x55: {  	_ =	shalt  }

// kernel: kernel.18.cloned.1.call-start
scs
__scs_entry_jumppad:
0x0: {  	(pc) =	sbr.rel $0x88, $3  }
0x1: {  	(tag) =	ssettag $0x0;
	lr =	simm.s32 $0x1  }
0x2: {  	[smem:$0x3F9F] =	sst lr;
	_ =	strace $0xD0000000  }
0x3: {  	_ = 	snop  }
0x4: {  	_ = 	snop  }
0x5: {  	_ = 	snop  }
0x6: {  	_ = 	snop  }
0x7: {  	_ = 	snop  }
__scs_overlays_trampoline_lowered:
0x8: {  	[smem:$0x3FAE] =	sst s0  }
0x9: {  	[smem:$0x3FAF] =	sst s1  }
0xa: {  	[smem:$0x3FB0] =	sst s2  }
0xb: {  	[smem:$0x3FB1] =	sst s3  }
0xc: {  	[smem:$0x3FB2] =	sst s4  }
0xd: {  	[smem:$0x3FB3] =	sst s5  }
0xe: {  	[smem:$0x3FB4] =	sst s6  }
0xf: {  	[smem:$0x3FB5] =	sst s7  }
0x10: {  	[smem:$0x3FB6] =	sst s8  }
0x11: {  	[smem:$0x3FB7] =	sst s9;
	s0 =	simm.s32 @!p0 $0x0  }
0x12: {  	s1 =	sld [smem:$0x3F9D];
	s0 =	simm.s32 @p0 $0x1  }
0x13: {  	[smem:$0x3FB8] =	sst s0;
	s0 =	simm.s32 @!p1 $0x0  }
0x14: {  	s2 =	sld [smem:$0x3F9C];
	s0 =	simm.s32 @p1 $0x1  }
0x15: {  	[smem:$0x3FB9] =	sst s0;
	s0 =	simm.s32 @!p2 $0x0  }
0x16: {  	s3 =	sld [smem:$0x3FDB];
	s0 =	simm.s32 @p2 $0x1  }
0x17: {  	s4 =	simm.s32 $0x1BF5;
	[smem:$0x3FBB] =	sst s0  }
0x18: {  	s0 =	sld [smem:$0x3F9E];
	_ =	swait.ge [sflag:s4], $0x0  }
0x19: {  	s7 =	sld [smem:$0x3F9F]  }
0x1a: {  	s8 =	sadd.s32 $0xFFFFE003, lr  }
0x1b: {  	s9 =	sadd.s32 $0xFFFFFEF7, lr;
	s5 =	simm.s32 $0xFFFFFFFF;
	p2 =	slt.u32 s8, $0xFFFFF086  }
0x1c: {  	p1 =	slt.u32 s9, $0xF7A;
	s5 =	simm.s32 @!p2 $0x0  }
0x1d: {  	s5 =	simm.s32 @p1 $0x1;
	p0 =	seq.s32 s7, s2  }
0x1e: {  	s7 =	smul.u32 @!p0 $0xF7A, s2;
	p2 =	seq.s32 @!p0 s5, $0x0  }
0x1f: {  	s9 =	smul.u32 $0xF7A, s1;
	s8 =	simm.s32 @!p0 $0x1BF5;
	p2 =	por !p2, p0  }
0x20: {  	[sflag:s8] =	ssyncset.s32 @!p0 $0xFFFFF086;
	s6 =	sadd.s32 @!p0 s3, s7;
	s7 =	simm.s32 @!p0 $0x108  }
0x21: {  	s3 =	sadd.s32 s3, s9;
	s6 =	sadd.s32 @!p0 $0x88, s6;
	s7 =	simm.s32 @p2 $0x1082  }
0x22: {  	[simem:s7], [sflag:s8] =	dma.local @!p0 [hbm:s6], $0xF7A  }
0x23: {  	s9 =	sor.u32 $0xD0000000, s2;
	s6 =	simm.s32 $0x108;
	_ =	swait.ge @!p0 [sflag:s8], $0x0  }
0x24: {  	s3 =	sadd.s32 $0x88, s3;
	s6 =	simm.s32 @!p1 $0x1082;
	[sflag:s4] =	ssyncset.s32 $0xFFFFF086  }
0x25: {  	[simem:s6], [sflag:s4] =	dma.local [hbm:s3], $0xF7A  }
0x26: {  	[smem:$0x3F9F] =	sst s1;
	(tag) =	ssettag s2;
	_ =	strace s9  }
0x27: {  	s1 =	sld [smem:$0x3FAF]  }
0x28: {  	s2 =	sld [smem:$0x3FB0]  }
0x29: {  	s4 =	sld [smem:$0x3FB2]  }
0x2a: {  	p0 =	seq.s32 s5, $0x0;
	s5 =	sld [smem:$0x3FB3]  }
0x2b: {  	s6 =	sld [smem:$0x3FB4]  }
0x2c: {  	s7 =	sld [smem:$0x3FB5]  }
0x2d: {  	s3 =	simm.s32 $0x108;
	s8 =	sld [smem:$0x3FB6]  }
0x2e: {  	s3 =	simm.s32 @!p0 $0x1082;
	s9 =	sld [smem:$0x3FB7]  }
0x2f: {  	lr =	sadd.s32 s0, s3;
	s0 =	sld [smem:$0x3FAE]  }
0x30: {  	s3 =	sld [smem:$0x3FB1]  }
0x31: {  	[smem:$0x3FBA] =	sst s10  }
0x32: {  	s10 =	sld [smem:$0x3FB8];
	_ =	sdelay $0x3  }
0x33: {  	p0 =	seq.s32 s10, $0x1;
	s10 =	sld [smem:$0x3FBA];
	_ =	sdelay $0x3  }
0x34: {  	[smem:$0x3FBA] =	sst s10  }
0x35: {  	s10 =	sld [smem:$0x3FB9];
	_ =	sdelay $0x3  }
0x36: {  	p1 =	seq.s32 s10, $0x1;
	s10 =	sld [smem:$0x3FBA];
	_ =	sdelay $0x3  }
0x37: {  	[smem:$0x3FBA] =	sst s10  }
0x38: {  	s10 =	sld [smem:$0x3FBB]  }
0x39: {  	_ = 	snop;
	(pc) =	sbr.ind lr, $3  }
0x3a: {  	_ = 	snop  }
0x3b: {  	_ = 	snop  }
0x3c: {  	p2 =	seq.s32 s10, $0x1;
	s10 =	sld [smem:$0x3FBA]  }
0x3d: {  	_ =	shalt  }
0x3e: {  	_ =	shalt  }
0x3f: {  	_ =	shalt  }
0x40: {  	_ =	shalt  }
0x41: {  	_ =	shalt  }
0x42: {  	_ =	shalt  }
0x43: {  	_ =	shalt  }
0x44: {  	_ =	shalt  }
0x45: {  	_ =	shalt  }
0x46: {  	_ =	shalt  }
0x47: {  	_ =	shalt  }
0x48: {  	_ =	shalt  }
0x49: {  	_ =	shalt  }
0x4a: {  	_ =	shalt  }
0x4b: {  	_ =	shalt  }
0x4c: {  	_ =	shalt  }
0x4d: {  	_ =	shalt  }
0x4e: {  	_ =	shalt  }
0x4f: {  	_ =	shalt  }
0x50: {  	_ =	shalt  }
0x51: {  	_ =	shalt  }
0x52: {  	_ =	shalt  }
0x53: {  	_ =	shalt  }
0x54: {  	_ =	shalt  }
0x55: {  	_ =	shalt  }
0x56: {  	_ =	shalt  }
0x57: {  	_ =	shalt  }
0x58: {  	_ =	shalt  }
0x59: {  	_ =	shalt  }
0x5a: {  	_ =	shalt  }
0x5b: {  	_ =	shalt  }
0x5c: {  	_ =	shalt  }
0x5d: {  	_ =	shalt  }
0x5e: {  	_ =	shalt  }
0x5f: {  	_ =	shalt  }
0x60: {  	_ =	shalt  }
0x61: {  	_ =	shalt  }
0x62: {  	_ =	shalt  }
0x63: {  	_ =	shalt  }
0x64: {  	_ =	shalt  }
0x65: {  	_ =	shalt  }
0x66: {  	_ =	shalt  }
0x67: {  	_ =	shalt  }
0x68: {  	_ =	shalt  }
0x69: {  	_ =	shalt  }
0x6a: {  	_ =	shalt  }
0x6b: {  	_ =	shalt  }
0x6c: {  	_ =	shalt  }
0x6d: {  	_ =	shalt  }
0x6e: {  	_ =	shalt  }
0x6f: {  	_ =	shalt  }
0x70: {  	_ =	shalt  }
0x71: {  	_ =	shalt  }
0x72: {  	_ =	shalt  }
0x73: {  	_ =	shalt  }
0x74: {  	_ =	shalt  }
0x75: {  	_ =	shalt  }
0x76: {  	_ =	shalt  }
0x77: {  	_ =	shalt  }
0x78: {  	_ =	shalt  }
0x79: {  	_ =	shalt  }
0x7a: {  	_ =	shalt  }
0x7b: {  	_ =	shalt  }
0x7c: {  	_ =	shalt  }
0x7d: {  	_ =	shalt  }
0x7e: {  	_ =	shalt  }
0x7f: {  	_ =	shalt  }
0x80: {  	_ =	shalt  }
0x81: {  	_ =	shalt  }
0x82: {  	_ =	shalt  }
0x83: {  	_ =	shalt  }
0x84: {  	_ =	shalt  }
0x85: {  	_ =	shalt  }
0x86: {  	_ =	shalt  }
0x87: {  	_ =	shalt  }
.Lfunc_end0:
.L_simem_size_0:
called_computation.2_lowered:
.L_overlay_start_0:
0x88: {  	s2 =	sld [smem:$0x3FD9]  }
0x89: {  	s3 =	sld [smem:$0x3FFE];
	_ =	sdelay $0x1  }
0x8a: {  	s1 =	srdreg.scid  }
0x8b: {  	s0 =	sand.u32 $0x1, s1  }
0x8c: {  	s17 =	sshll.u32 s0, $0xA;
	s2 =	sadd.s32 s3, s2  }
0x8d: {  	s2 =	sadd.s32 s2, s17  }
0x8e: {  	[smem:$0x3FC6] =	sst s2  }
0x8f: {  	_ = 	snop  }
0x90: {  	s2 =	sld [smem:$0x3FC8];
	(tm) =	ssettm $0x1  }
0x91: {  	s18 =	sld [smem:$0x3FFB];
	_ =	sdelay $0x3  }
0x92: {  	_ =	strace s18  }
0x93: {  	s3 =	sld [smem:$0x3FFC];
	_ =	sdelay $0x3  }
0x94: {  	_ =	strace s3  }
0x95: {  	s3 =	sld [smem:$0x3FFD];
	_ =	sdelay $0x3  }
0x96: {  	_ =	strace s3  }
0x97: {  	_ =	strace $0x8FFFFFFF  }
0x98: {  	s19 =	sld [smem:$0x3FDB];
	_ =	sdelay $0x1  }
0x99: {  	s4 =	simm.s32 $_scs_section_size  }
0x9a: {  	s5 =	simm.s32 $_size__tile_overlayer_lowered;
	s6 =	simm.s32 $_tile_overlayer_lowered  }
0x9b: {  	s22 =	simm.s32 $0x1BFF;
	s21 =	sshll.u32 s6, $0x1;
	s3 =	sadd.s32 s4, s19  }
0x9c: {  	s7 =	simm.s32 $0x0;
	s20 =	sshll.u32 s5, $0x1;
	s5 =	sadd.s32 s21, s3  }
0x9d: {  	[timem:s7], [sflag:s22] =	dma.local [hbm:s5], s20  }
0x9e: {  	_ =	swait.ge [sflag:s22], s20  }
0x9f: {  	s4 =	ssub.s32 $0x0, s20;
	[sflag:s22] =	ssyncset.done $0x0  }
0xa0: {  	[sflag:s22] =	ssyncadd.s32 s4;
	_ =	sdelay $0x1  }
0xa1: {  	s23 =	simm.s32 $0x1B8B  }
0xa2: {  	_ =	swait.ge [sflag:s23], $0x1  }
0xa3: {  	[sflag:s23] =	ssyncset.done $0x0  }
0xa4: {  	s25 =	simm.s32 $0x1B8E;
	s24 =	sld [smem:$0x3FFE];
	[sflag:s23] =	ssyncadd.s32 $0xFFFFFFFF  }
0xa5: {  	s26 =	simm.s32 $execute0_lowered;
	[smem:$0x3FD2] =	sst s25  }
0xa6: {  	s5 =	sshll.u32 s26, $0x1;
	_ =	strace $0x8000004C;
	[dreg:$0x1] =	wrdreg $0xFFFFFFFF  }
0xa7: {  	s28 =	simm.s32 $_size_execute0_lowered;
	s3 =	sadd.s32 s3, s5;
	[dreg:$0x0] =	wrdreg $0x0  }
0xa8: {  	s5 =	sshll.u32 s28, $0x1;
	[dreg:$0x2] =	wrdreg s3  }
0xa9: {  	[dreg:$0x3] =	wrdreg s5  }
0xaa: {  	[dreg:$0x4] =	wrdreg $0xC0  }
0xab: {  	_ =	task [dreg:s7], $0x5FFFF  }
0xac: {  	[dreg:$0x1] =	wrdreg $0xFFFFFFFF  }
0xad: {  	[dreg:$0x0] =	wrdreg $0x60  }
0xae: {  	[dreg:$0x2] =	wrdreg s2  }
0xaf: {  	[dreg:$0x3] =	wrdreg s24  }
0xb0: {  	[dreg:$0x4] =	wrdreg $0x9  }
0xb1: {  	_ =	task.clear_ibuf [dreg:s7], $0x5FFFF;
	_ =	strace $0x9000004C  }
0xb2: {  	s29 =	simm.s32 $0x9;
	_ =	strace $0x8000004E  }
0xb3: {  	_ =	swait.ge [sflag:s29], $0x1  }
0xb4: {  	[sflag:s29] =	ssyncadd.s32 $0xFFFFFFFF  }
0xb5: {  	_ =	strace $0x9000004E  }
0xb6: {  	_ =	sfence  }
0xb7: {  	s30 =	sld [smem:$0x0];
	_ =	sdelay $0x2  }
0xb8: {  	s31 =	sshll.u32 s1, $0xD;
	s1 =	sshrl.u32 s1, $0x2  }
0xb9: {  	s3 =	sand.u32 $0x4000, s31;
	s1 =	sadd.s32 s1, s30  }
0xba: {  	s0 =	sor.u32 s3, s0;
	s1 =	sshll.u32 s1, $0x11  }
0xbb: {  	s0 =	sor.u32 s1, s0  }
0xbc: {  	s0 =	sadd.s32 $0x8F2B, s0  }
0xbd: {  	[sflag:s0] =	ssyncadd.remote.s32 $0x1  }
0xbe: {  	_ =	sfence.sel $0xFFFF  }
0xbf: {  	[dreg:$0x0] =	wrdreg $0xFFFFFFFF;
	(pc) =	sbr.abs _section_cstart, $3  }
0xc0: {  	[dreg:$0x1] =	wrdreg $0xFFFFFFFF  }
0xc1: {  	_ =	task.clear_ibuf [dreg:s7], $0x2FFFF;
	_ =	strace $0x9FFFFFFF  }
0xc2: {  	(tm) =	ssettm $0x7FFFFFFF  }
0xc3: {  	_ =	shalt  }
tec
execute0_lowered:
.L_overlay_start_1:
0x0: {  	(tag) =	ssettag $0x1  }
0x1: {  	s1 =	srdreg.scid;
	s2 =	rddreg [dreg:$0x0]  }
0x2: {  	s0 =	stileid.u32;
	s5 =	rddreg [dreg:$0x1];
	s3 =	simm.s32 $0x0  }
0x3: {  	s8 =	simm.s32 $0x80;
	s9 =	simm.s32 $0x880;
	s10 =	simm.s32 $0x1080  }
0x4: {  	s11 =	simm.s32 $0x1880;
	s12 =	simm.s32 $0x2080;
	s13 =	simm.s32 $0x2880  }
0x5: {  	s14 =	simm.s32 $0x3080;
	s4 =	sand.u32 $0x1, s1;
	s30 =	sshll.u32 s0, $0x1  }
0x6: {  	s15 =	simm.s32 $0x3880;
	s16 =	simm.s32 $0x4080;
	s6 =	sor.u32 s4, s30  }
0x7: {  	s17 =	simm.s32 $0x1;
	s1 =	rddreg [dreg:$0x2];
	s7 =	smul.u32 $0x9, s6  }
0x8: {  	[smem:$0x7FF] =	sst s3;
	s4 =	ssub.s32 $0x2, s4;
	s6 =	smul.u32 $0x900, s6  }
0x9: {  	v2 =	vlaneseq.u32;
	_ =	strace $0x8000004D;
	s31 =	sshrl.u32 s4, $0x1;
	s7 =	sadd.s32 s7, s5  }
0xa: {  	vm0 =	vmmov $0xffff;
	v1 =	vshrl.u32 v2, $0x3;
	s5 =	sadd.s32 s6, s5;
	s6 =	ssub.s32 s4, s31;
	s4 =	sadd.s32 $0x26000, s7  }
0xb: {  	v0 =	vand.u32 $0x7, v2;
	v2 =	vor.u32 $0x8, v2;
	v1 =	vmul.u32 $0x8, v1;
	s5 =	sadd.s32 $0x26200, s5;
	s6 =	smax.u32 s6, $0x1;
	s7 =	simm.s32 $0x2  }
.LBB2_1:
0xc: {  	[tilespmem:s3], [sflag:$0x2] =	stream.linear.gather [hbm4b:s4+s3], $0x48, $0x38;
	[tilespmem:$0x4880] =	vst v63  }
0xd: {  	_ =	swait.ge [sflag:s7], $0x48  }
0xe: {  	[sflag:s7] =	ssyncset.done $0x0  }
0xf: {  	[sflag:s7] =	ssyncadd.s32 $0xFFFFFFB8  }
0x10: {  	v3 =	vld [tilespmem:$0x0];
	_ =	sdelay $0x4  }
0x11: {  	v4 =	vshll.u32 v3, $0x1  }
0x12: {  	v3 =	vand.u32 $0x7, v3;
	v4 =	vand.u32 $0xFFFFFFF0, v4  }
0x13: {  	v3 =	vor.u32 v3, v4  }
0x14: {  	v4 =	vperm.xlane v3, v0;
	_ =	sdelay $0x1  }
0x15: {  	v3 =	vperm.xlane v3, v2;
	v4 =	vadd.s32 v1, v4;
	_ =	sdelay $0x1  }
0x16: {  	v3 =	vadd.s32 v1, v3;
	_ =	sdelay $0x2  }
0x17: {  	[tilespmem:s8], [sflag:$0x1] =	stream.indirect_vreg.gather [hbm4b:s2+s3], $0x80, v4, vm0, $0xb8;
	[tilespmem:$0x4880] =	vst v63  }
0x18: {  	_ = 	snop  }
0x19: {  	[tilespmem:s9], [sflag:$0x1] =	stream.indirect_vreg.gather [hbm4b:s2+s3], $0x80, v3, vm0, $0xb8;
	[tilespmem:$0x4880] =	vst v63  }
0x1a: {  	v3 =	vld [tilespmem:$0x10];
	_ =	sdelay $0x4  }
0x1b: {  	v60 =	vshll.u32 v3, $0x1  }
0x1c: {  	v3 =	vand.u32 $0x7, v3;
	v4 =	vand.u32 $0xFFFFFFF0, v60  }
0x1d: {  	v3 =	vor.u32 v3, v4  }
0x1e: {  	v4 =	vperm.xlane v3, v0;
	_ =	sdelay $0x1  }
0x1f: {  	v3 =	vperm.xlane v3, v2;
	v4 =	vadd.s32 v1, v4;
	_ =	sdelay $0x1  }
0x20: {  	v3 =	vadd.s32 v1, v3;
	_ =	sdelay $0x2  }
0x21: {  	[tilespmem:s10], [sflag:$0x1] =	stream.indirect_vreg.gather [hbm4b:s2+s3], $0x80, v4, vm0, $0xb8;
	[tilespmem:$0x4880] =	vst v63  }
0x22: {  	_ = 	snop  }
0x23: {  	[tilespmem:s11], [sflag:$0x1] =	stream.indirect_vreg.gather [hbm4b:s2+s3], $0x80, v3, vm0, $0xb8;
	[tilespmem:$0x4880] =	vst v63  }
0x24: {  	v3 =	vld [tilespmem:$0x20];
	_ =	sdelay $0x4  }
0x25: {  	v61 =	vshll.u32 v3, $0x1  }
0x26: {  	v3 =	vand.u32 $0x7, v3;
	v4 =	vand.u32 $0xFFFFFFF0, v61  }
0x27: {  	v3 =	vor.u32 v3, v4  }
0x28: {  	v4 =	vperm.xlane v3, v0;
	_ =	sdelay $0x1  }
0x29: {  	v3 =	vperm.xlane v3, v2;
	v4 =	vadd.s32 v1, v4;
	_ =	sdelay $0x1  }
0x2a: {  	v3 =	vadd.s32 v1, v3;
	_ =	sdelay $0x2  }
0x2b: {  	[tilespmem:s12], [sflag:$0x1] =	stream.indirect_vreg.gather [hbm4b:s2+s3], $0x80, v4, vm0, $0xb8;
	[tilespmem:$0x4880] =	vst v63  }
0x2c: {  	_ = 	snop  }
0x2d: {  	[tilespmem:s13], [sflag:$0x1] =	stream.indirect_vreg.gather [hbm4b:s2+s3], $0x80, v3, vm0, $0xb8;
	[tilespmem:$0x4880] =	vst v63  }
0x2e: {  	v3 =	vld [tilespmem:$0x30];
	_ =	sdelay $0x4  }
0x2f: {  	v62 =	vshll.u32 v3, $0x1  }
0x30: {  	v3 =	vand.u32 $0x7, v3;
	v4 =	vand.u32 $0xFFFFFFF0, v62  }
0x31: {  	v3 =	vor.u32 v3, v4  }
0x32: {  	v4 =	vperm.xlane v3, v0;
	_ =	sdelay $0x1  }
0x33: {  	v3 =	vperm.xlane v3, v2;
	v4 =	vadd.s32 v1, v4;
	_ =	sdelay $0x1  }
0x34: {  	v3 =	vadd.s32 v1, v3;
	_ =	sdelay $0x2  }
0x35: {  	[tilespmem:s14], [sflag:$0x1] =	stream.indirect_vreg.gather [hbm4b:s2+s3], $0x80, v4, vm0, $0xb8;
	[tilespmem:$0x4880] =	vst v63  }
0x36: {  	_ = 	snop  }
0x37: {  	[tilespmem:s15], [sflag:$0x1] =	stream.indirect_vreg.gather [hbm4b:s2+s3], $0x80, v3, vm0, $0xb8;
	[tilespmem:$0x4880] =	vst v63  }
0x38: {  	v3 =	vld.msk [tilespmem:$0x40], $0xff;
	_ =	sdelay $0x4  }
0x39: {  	v63 =	vshll.u32 v3, $0x1  }
0x3a: {  	v3 =	vand.u32 $0x7, v3;
	v4 =	vand.u32 $0xFFFFFFF0, v63  }
0x3b: {  	v3 =	vor.u32 v3, v4  }
0x3c: {  	v3 =	vperm.xlane v3, v0;
	_ =	sdelay $0x1  }
0x3d: {  	v3 =	vadd.s32 v1, v3;
	_ =	sdelay $0x4  }
0x3e: {  	[tilespmem:s16], [sflag:$0x1] =	stream.indirect_vreg.gather [hbm4b:s2+s3], $0x80, v3, vm0, $0xb8;
	[tilespmem:$0x4880] =	vst v63  }
0x3f: {  	_ =	swait.ge [sflag:s17], $0x4800  }
0x40: {  	p0 =	sne.s32 s6, $0x1;
	[sflag:s17] =	ssyncset.done $0x0  }
.Ltmp0:
0x41: {  	[sflag:s17] =	ssyncadd.s32 $0xFFFFB800;
	(pc) =	sbr.rel @p0 .LBB2_1-.Ltmp0, $4  }
0x42: {  	[hbm4b:s5+s3] =	stream.linear.scatter [tilespmem:s8], [sflag:$0x2], $0x4800, $0x38;
	[tilespmem:$0x4880] =	vst v63  }
0x43: {  	_ =	swait.ge [sflag:s7], $0x4800  }
0x44: {  	[sflag:s7] =	ssyncset.done $0x0  }
0x45: {  	s6 =	sadd.s32 $0xFFFFFFFF, s6;
	[sflag:s7] =	ssyncadd.s32 $0xFFFFB800  }
0x46: {  	_ =	sfence.sel $0x180000  }
0x47: {  	[bflag:$0x0] =	sbarrier.arrive $0xFFFF  }
0x48: {  	p0 =	sne.s32 s0, $0x0;
	_ =	strace $0x9000004D  }
0x49: {  	s0 =	sadd.s32 @!p0 $0x100000, s1;
	[bflag:$0x2] =	sbarrier.arrive $0xFFFF  }
0x4a: {  	[sflag:s0] =	ssyncadd.tile.s32 @!p0 $0x1;
	_ =	shalt  }
.Lfunc_end2:
_tile_overlayer_lowered:
.L_overlay_start_2:
0x4b: {  	(tag) =	ssettag $0x2  }
0x4c: {  	s0 =	rddreg [dreg:$0x0];
	s2 =	stileid.u32  }
0x4d: {  	s1 =	rddreg [dreg:$0x1];
	p0 =	sne.s32 s2, $0x0  }
0x4e: {  	s3 =	rddreg [dreg:$0x2];
	[bflag:$0x3] =	sbarrier.arrive $0xFFFF;
	s2 =	simm.s32 @!p0 $0x1C02  }
0x4f: {  	[timem:s3], [sflag:s2] =	dma.local @!p0 [hbm:s0], s1  }
0x50: {  	s0 =	simm.s32 @!p0 $0x2  }
0x51: {  	_ =	swait.ge @!p0 [sflag:s0], s1  }
0x52: {  	s1 =	ssub.s32 @!p0 $0x0, s1;
	[sflag:s0] =	ssyncset.done @!p0 $0x0  }
0x53: {  	[sflag:s0] =	ssyncadd.s32 @!p0 s1  }
0x54: {  	[bflag:$0x3] =	sbarrier.arrive $0xFFFF  }
0x55: {  	_ =	shalt  }

// kernel: kernel.21.cloned.1.call-start
scs
__scs_entry_jumppad:
0x0: {  	(pc) =	sbr.rel $0x88, $3  }
0x1: {  	(tag) =	ssettag $0x0;
	lr =	simm.s32 $0x1  }
0x2: {  	[smem:$0x3F9F] =	sst lr;
	_ =	strace $0xD0000000  }
0x3: {  	_ = 	snop  }
0x4: {  	_ = 	snop  }
0x5: {  	_ = 	snop  }
0x6: {  	_ = 	snop  }
0x7: {  	_ = 	snop  }
__scs_overlays_trampoline_lowered:
0x8: {  	[smem:$0x3FAE] =	sst s0  }
0x9: {  	[smem:$0x3FAF] =	sst s1  }
0xa: {  	[smem:$0x3FB0] =	sst s2  }
0xb: {  	[smem:$0x3FB1] =	sst s3  }
0xc: {  	[smem:$0x3FB2] =	sst s4  }
0xd: {  	[smem:$0x3FB3] =	sst s5  }
0xe: {  	[smem:$0x3FB4] =	sst s6  }
0xf: {  	[smem:$0x3FB5] =	sst s7  }
0x10: {  	[smem:$0x3FB6] =	sst s8  }
0x11: {  	[smem:$0x3FB7] =	sst s9;
	s0 =	simm.s32 @!p0 $0x0  }
0x12: {  	s1 =	sld [smem:$0x3F9D];
	s0 =	simm.s32 @p0 $0x1  }
0x13: {  	[smem:$0x3FB8] =	sst s0;
	s0 =	simm.s32 @!p1 $0x0  }
0x14: {  	s2 =	sld [smem:$0x3F9C];
	s0 =	simm.s32 @p1 $0x1  }
0x15: {  	[smem:$0x3FB9] =	sst s0;
	s0 =	simm.s32 @!p2 $0x0  }
0x16: {  	s3 =	sld [smem:$0x3FDB];
	s0 =	simm.s32 @p2 $0x1  }
0x17: {  	s4 =	simm.s32 $0x1BF5;
	[smem:$0x3FBB] =	sst s0  }
0x18: {  	s0 =	sld [smem:$0x3F9E];
	_ =	swait.ge [sflag:s4], $0x0  }
0x19: {  	s7 =	sld [smem:$0x3F9F]  }
0x1a: {  	s8 =	sadd.s32 $0xFFFFE003, lr  }
0x1b: {  	s9 =	sadd.s32 $0xFFFFFEF7, lr;
	s5 =	simm.s32 $0xFFFFFFFF;
	p2 =	slt.u32 s8, $0xFFFFF086  }
0x1c: {  	p1 =	slt.u32 s9, $0xF7A;
	s5 =	simm.s32 @!p2 $0x0  }
0x1d: {  	s5 =	simm.s32 @p1 $0x1;
	p0 =	seq.s32 s7, s2  }
0x1e: {  	s7 =	smul.u32 @!p0 $0xF7A, s2;
	p2 =	seq.s32 @!p0 s5, $0x0  }
0x1f: {  	s9 =	smul.u32 $0xF7A, s1;
	s8 =	simm.s32 @!p0 $0x1BF5;
	p2 =	por !p2, p0  }
0x20: {  	[sflag:s8] =	ssyncset.s32 @!p0 $0xFFFFF086;
	s6 =	sadd.s32 @!p0 s3, s7;
	s7 =	simm.s32 @!p0 $0x108  }
0x21: {  	s3 =	sadd.s32 s3, s9;
	s6 =	sadd.s32 @!p0 $0x88, s6;
	s7 =	simm.s32 @p2 $0x1082  }
0x22: {  	[simem:s7], [sflag:s8] =	dma.local @!p0 [hbm:s6], $0xF7A  }
0x23: {  	s9 =	sor.u32 $0xD0000000, s2;
	s6 =	simm.s32 $0x108;
	_ =	swait.ge @!p0 [sflag:s8], $0x0  }
0x24: {  	s3 =	sadd.s32 $0x88, s3;
	s6 =	simm.s32 @!p1 $0x1082;
	[sflag:s4] =	ssyncset.s32 $0xFFFFF086  }
0x25: {  	[simem:s6], [sflag:s4] =	dma.local [hbm:s3], $0xF7A  }
0x26: {  	[smem:$0x3F9F] =	sst s1;
	(tag) =	ssettag s2;
	_ =	strace s9  }
0x27: {  	s1 =	sld [smem:$0x3FAF]  }
0x28: {  	s2 =	sld [smem:$0x3FB0]  }
0x29: {  	s4 =	sld [smem:$0x3FB2]  }
0x2a: {  	p0 =	seq.s32 s5, $0x0;
	s5 =	sld [smem:$0x3FB3]  }
0x2b: {  	s6 =	sld [smem:$0x3FB4]  }
0x2c: {  	s7 =	sld [smem:$0x3FB5]  }
0x2d: {  	s3 =	simm.s32 $0x108;
	s8 =	sld [smem:$0x3FB6]  }
0x2e: {  	s3 =	simm.s32 @!p0 $0x1082;
	s9 =	sld [smem:$0x3FB7]  }
0x2f: {  	lr =	sadd.s32 s0, s3;
	s0 =	sld [smem:$0x3FAE]  }
0x30: {  	s3 =	sld [smem:$0x3FB1]  }
0x31: {  	[smem:$0x3FBA] =	sst s10  }
0x32: {  	s10 =	sld [smem:$0x3FB8];
	_ =	sdelay $0x3  }
0x33: {  	p0 =	seq.s32 s10, $0x1;
	s10 =	sld [smem:$0x3FBA];
	_ =	sdelay $0x3  }
0x34: {  	[smem:$0x3FBA] =	sst s10  }
0x35: {  	s10 =	sld [smem:$0x3FB9];
	_ =	sdelay $0x3  }
0x36: {  	p1 =	seq.s32 s10, $0x1;
	s10 =	sld [smem:$0x3FBA];
	_ =	sdelay $0x3  }
0x37: {  	[smem:$0x3FBA] =	sst s10  }
0x38: {  	s10 =	sld [smem:$0x3FBB]  }
0x39: {  	_ = 	snop;
	(pc) =	sbr.ind lr, $3  }
0x3a: {  	_ = 	snop  }
0x3b: {  	_ = 	snop  }
0x3c: {  	p2 =	seq.s32 s10, $0x1;
	s10 =	sld [smem:$0x3FBA]  }
0x3d: {  	_ =	shalt  }
0x3e: {  	_ =	shalt  }
0x3f: {  	_ =	shalt  }
0x40: {  	_ =	shalt  }
0x41: {  	_ =	shalt  }
0x42: {  	_ =	shalt  }
0x43: {  	_ =	shalt  }
0x44: {  	_ =	shalt  }
0x45: {  	_ =	shalt  }
0x46: {  	_ =	shalt  }
0x47: {  	_ =	shalt  }
0x48: {  	_ =	shalt  }
0x49: {  	_ =	shalt  }
0x4a: {  	_ =	shalt  }
0x4b: {  	_ =	shalt  }
0x4c: {  	_ =	shalt  }
0x4d: {  	_ =	shalt  }
0x4e: {  	_ =	shalt  }
0x4f: {  	_ =	shalt  }
0x50: {  	_ =	shalt  }
0x51: {  	_ =	shalt  }
0x52: {  	_ =	shalt  }
0x53: {  	_ =	shalt  }
0x54: {  	_ =	shalt  }
0x55: {  	_ =	shalt  }
0x56: {  	_ =	shalt  }
0x57: {  	_ =	shalt  }
0x58: {  	_ =	shalt  }
0x59: {  	_ =	shalt  }
0x5a: {  	_ =	shalt  }
0x5b: {  	_ =	shalt  }
0x5c: {  	_ =	shalt  }
0x5d: {  	_ =	shalt  }
0x5e: {  	_ =	shalt  }
0x5f: {  	_ =	shalt  }
0x60: {  	_ =	shalt  }
0x61: {  	_ =	shalt  }
0x62: {  	_ =	shalt  }
0x63: {  	_ =	shalt  }
0x64: {  	_ =	shalt  }
0x65: {  	_ =	shalt  }
0x66: {  	_ =	shalt  }
0x67: {  	_ =	shalt  }
0x68: {  	_ =	shalt  }
0x69: {  	_ =	shalt  }
0x6a: {  	_ =	shalt  }
0x6b: {  	_ =	shalt  }
0x6c: {  	_ =	shalt  }
0x6d: {  	_ =	shalt  }
0x6e: {  	_ =	shalt  }
0x6f: {  	_ =	shalt  }
0x70: {  	_ =	shalt  }
0x71: {  	_ =	shalt  }
0x72: {  	_ =	shalt  }
0x73: {  	_ =	shalt  }
0x74: {  	_ =	shalt  }
0x75: {  	_ =	shalt  }
0x76: {  	_ =	shalt  }
0x77: {  	_ =	shalt  }
0x78: {  	_ =	shalt  }
0x79: {  	_ =	shalt  }
0x7a: {  	_ =	shalt  }
0x7b: {  	_ =	shalt  }
0x7c: {  	_ =	shalt  }
0x7d: {  	_ =	shalt  }
0x7e: {  	_ =	shalt  }
0x7f: {  	_ =	shalt  }
0x80: {  	_ =	shalt  }
0x81: {  	_ =	shalt  }
0x82: {  	_ =	shalt  }
0x83: {  	_ =	shalt  }
0x84: {  	_ =	shalt  }
0x85: {  	_ =	shalt  }
0x86: {  	_ =	shalt  }
0x87: {  	_ =	shalt  }
.Lfunc_end0:
.L_simem_size_0:
called_computation.3_lowered:
.L_overlay_start_0:
0x88: {  	s2 =	sld [smem:$0x3FD9]  }
0x89: {  	s3 =	sld [smem:$0x3FFE];
	_ =	sdelay $0x1  }
0x8a: {  	s1 =	srdreg.scid  }
0x8b: {  	s0 =	sand.u32 $0x1, s1  }
0x8c: {  	s15 =	sshll.u32 s0, $0xA;
	s2 =	sadd.s32 s3, s2  }
0x8d: {  	s2 =	sadd.s32 s2, s15  }
0x8e: {  	[smem:$0x3FC6] =	sst s2  }
0x8f: {  	_ = 	snop  }
0x90: {  	s16 =	sld [smem:$0x3FD0];
	_ =	sdelay $0x2  }
0x91: {  	s4 =	simm.s32 $0xB;
	s5 =	simm.s32 $0x10;
	s2 =	sld [smem:$0x3FC8]  }
0x92: {  	[smem:s5], [sflag:s4] =	dma.local [hbm:s16], $0x1  }
0x93: {  	_ =	swait.eq [sflag:s4], $0x1  }
0x94: {  	[sflag:s4] =	ssyncset.done $0x0  }
0x95: {  	[sflag:s4] =	ssyncadd.s32 $0xFFFFFFFF  }
0x96: {  	s17 =	sld [smem:$0x10];
	(tm) =	ssettm $0x1  }
0x97: {  	s18 =	sld [smem:$0x3FFB];
	_ =	sdelay $0x3  }
0x98: {  	_ =	strace s18  }
0x99: {  	s3 =	sld [smem:$0x3FFC];
	_ =	sdelay $0x3  }
0x9a: {  	_ =	strace s3  }
0x9b: {  	s3 =	sld [smem:$0x3FFD];
	_ =	sdelay $0x3  }
0x9c: {  	_ =	strace s3  }
0x9d: {  	_ =	strace $0x8FFFFFFF  }
0x9e: {  	s19 =	sld [smem:$0x3FDB];
	_ =	sdelay $0x1  }
0x9f: {  	s20 =	simm.s32 $_scs_section_size  }
0xa0: {  	s6 =	simm.s32 $_size__tile_overlayer_lowered;
	s7 =	simm.s32 $_tile_overlayer_lowered  }
0xa1: {  	s8 =	simm.s32 $0x1BFF;
	s21 =	sshll.u32 s7, $0x1;
	s5 =	sadd.s32 s20, s19  }
0xa2: {  	s22 =	simm.s32 $0x0;
	s6 =	sshll.u32 s6, $0x1;
	s7 =	sadd.s32 s21, s5  }
0xa3: {  	[timem:s22], [sflag:s8] =	dma.local [hbm:s7], s6  }
0xa4: {  	_ =	swait.ge [sflag:s8], s6  }
0xa5: {  	s6 =	ssub.s32 $0x0, s6;
	[sflag:s8] =	ssyncset.done $0x0  }
0xa6: {  	[sflag:s8] =	ssyncadd.s32 s6;
	_ =	sdelay $0x1  }
0xa7: {  	s23 =	simm.s32 $0x1B8B  }
0xa8: {  	_ =	swait.ge [sflag:s23], $0x1  }
0xa9: {  	[sflag:s23] =	ssyncset.done $0x0  }
0xaa: {  	[sflag:s23] =	ssyncadd.s32 $0xFFFFFFFF  }
0xab: {  	s6 =	sld [smem:$0x0]  }
0xac: {  	s7 =	sand.u32 $0xFFFFFFFE, s1  }
0xad: {  	p0 =	sne.s32 s1, s7  }
0xae: {  	s7 =	sshll.u32 @p0 s7, $0xE  }
0xaf: {  	s7 =	sadd.s32 @p0 $0x11B8D, s7;
	s8 =	sshll.u32 @p0 s6, $0x11  }
0xb0: {  	s7 =	sor.u32 @p0 s8, s7  }
0xb1: {  	[sflag:s7] =	ssyncadd.remote.s32 @p0 $0x1;
	_ =	sdelay $0x1  }
0xb2: {  	s7 =	simm.s32 @p0 $0x1B8D  }
0xb3: {  	_ =	swait.eq @p0 [sflag:s7], $0x1  }
0xb4: {  	[sflag:s7] =	ssyncadd.s32 @p0 $0xFFFFFFFF  }
0xb5: {  	s8 =	sshll.u32 @!p0 s1, $0xE  }
0xb6: {  	s8 =	sor.u32 @!p0 $0x4000, s8;
	s7 =	simm.s32 @!p0 $0x1B8D  }
0xb7: {  	s6 =	sshll.u32 @!p0 s6, $0x11;
	s8 =	sadd.s32 @!p0 $0x11B8D, s8;
	_ =	swait.eq @!p0 [sflag:s7], $0x1  }
0xb8: {  	s6 =	sor.u32 @!p0 s6, s8;
	[sflag:s7] =	ssyncadd.s32 @!p0 $0xFFFFFFFF  }
0xb9: {  	s25 =	simm.s32 $0x1B8E;
	s24 =	sld [smem:$0x3FFE];
	[sflag:s6] =	ssyncadd.remote.s32 @!p0 $0x1  }
0xba: {  	s26 =	simm.s32 $execute0_lowered;
	[smem:$0x3FD2] =	sst s25  }
0xbb: {  	s7 =	sshll.u32 s26, $0x1;
	_ =	strace $0x80000052;
	[dreg:$0x1] =	wrdreg $0xFFFFFFFF  }
0xbc: {  	s28 =	simm.s32 $_size_execute0_lowered;
	s5 =	sadd.s32 s5, s7;
	[dreg:$0x0] =	wrdreg $0x0  }
0xbd: {  	s7 =	sshll.u32 s28, $0x1;
	[dreg:$0x2] =	wrdreg s5  }
0xbe: {  	[dreg:$0x3] =	wrdreg s7  }
0xbf: {  	[dreg:$0x4] =	wrdreg $0xC0  }
0xc0: {  	_ =	task [dreg:s22], $0x5FFFF  }
0xc1: {  	[dreg:$0x1] =	wrdreg $0xFFFFFFFF  }
0xc2: {  	[dreg:$0x0] =	wrdreg $0x60  }
0xc3: {  	[dreg:$0x2] =	wrdreg s2  }
0xc4: {  	[dreg:$0x3] =	wrdreg s24  }
0xc5: {  	[dreg:$0x4] =	wrdreg s17  }
0xc6: {  	[dreg:$0x5] =	wrdreg $0x9  }
0xc7: {  	_ =	task.clear_ibuf [dreg:s22], $0x6FFFF;
	_ =	strace $0x90000052  }
0xc8: {  	s29 =	simm.s32 $0x9;
	_ =	strace $0x80000054  }
0xc9: {  	_ =	swait.ge [sflag:s29], $0x1  }
0xca: {  	[sflag:s29] =	ssyncadd.s32 $0xFFFFFFFF  }
0xcb: {  	_ =	strace $0x90000054  }
0xcc: {  	_ =	sfence  }
0xcd: {  	s30 =	sld [smem:$0x0];
	_ =	sdelay $0x2  }
0xce: {  	s31 =	sshll.u32 s1, $0xD;
	s1 =	sshrl.u32 s1, $0x2  }
0xcf: {  	s4 =	sand.u32 $0x4000, s31;
	s1 =	sadd.s32 s1, s30  }
0xd0: {  	s0 =	sor.u32 s4, s0;
	s1 =	sshll.u32 s1, $0x11  }
0xd1: {  	s0 =	sor.u32 s1, s0  }
0xd2: {  	s0 =	sadd.s32 $0x8F2B, s0  }
0xd3: {  	[sflag:s0] =	ssyncadd.remote.s32 $0x1  }
0xd4: {  	_ =	sfence.sel $0xFFFF  }
0xd5: {  	[dreg:$0x0] =	wrdreg $0xFFFFFFFF;
	(pc) =	sbr.abs _section_cstart, $3  }
0xd6: {  	[dreg:$0x1] =	wrdreg $0xFFFFFFFF  }
0xd7: {  	_ =	task.clear_ibuf [dreg:s22], $0x2FFFF;
	_ =	strace $0x9FFFFFFF  }
0xd8: {  	(tm) =	ssettm $0x7FFFFFFF  }
0xd9: {  	_ =	shalt  }
tec
execute0_lowered:
.L_overlay_start_1:
0x0: {  	(tag) =	ssettag $0x1  }
0x1: {  	s1 =	rddreg [dreg:$0x0]  }
0x2: {  	s2 =	srdreg.scid;
	s4 =	rddreg [dreg:$0x1]  }
0x3: {  	s0 =	stileid.u32;
	s6 =	rddreg [dreg:$0x2]  }
0x4: {  	s3 =	simm.s32 $0x0;
	s9 =	simm.s32 $0x880;
	s10 =	simm.s32 $0x1080  }
0x5: {  	s11 =	simm.s32 $0x1880;
	s12 =	simm.s32 $0x2080;
	s13 =	simm.s32 $0x2880  }
0x6: {  	s14 =	simm.s32 $0x3080;
	s5 =	sand.u32 $0x1, s2;
	s30 =	sshll.u32 s0, $0x1  }
0x7: {  	s15 =	simm.s32 $0x3880;
	s16 =	simm.s32 $0x4080;
	s7 =	sor.u32 s5, s30  }
0x8: {  	s17 =	simm.s32 $0x1;
	s2 =	rddreg [dreg:$0x3];
	s8 =	smul.u32 $0x9, s7  }
0x9: {  	[smem:$0x7FF] =	sst s3;
	s5 =	ssub.s32 $0x2, s5;
	s7 =	smul.u32 $0x900, s7  }
0xa: {  	v2 =	vlaneseq.u32;
	_ =	strace $0x80000053;
	s31 =	sshrl.u32 s5, $0x1;
	s4 =	sadd.s32 s8, s4  }
0xb: {  	vm0 =	vmmov $0xffff;
	v1 =	vshrl.u32 v2, $0x3;
	s8 =	ssub.s32 s5, s31;
	s5 =	sadd.s32 s6, s7;
	s7 =	simm.s32 $0x2  }
0xc: {  	v0 =	vand.u32 $0x7, v2;
	v2 =	vor.u32 $0x8, v2;
	v1 =	vmul.u32 $0x8, v1;
	s4 =	sadd.s32 $0x38400, s4;
	s6 =	smax.u32 s8, $0x1;
	s8 =	simm.s32 $0x80  }
.LBB2_1:
0xd: {  	[tilespmem:s3], [sflag:$0x2] =	stream.linear.gather [hbm4b:s4+s3], $0x48, $0x38;
	[tilespmem:$0x4880] =	vst v63  }
0xe: {  	_ =	swait.ge [sflag:s7], $0x48  }
0xf: {  	[sflag:s7] =	ssyncset.done $0x0  }
0x10: {  	[sflag:s7] =	ssyncadd.s32 $0xFFFFFFB8  }
0x11: {  	v3 =	vld [tilespmem:$0x0];
	_ =	sdelay $0x4  }
0x12: {  	v4 =	vshll.u32 v3, $0x1  }
0x13: {  	v3 =	vand.u32 $0x7, v3;
	v4 =	vand.u32 $0xFFFFFFF0, v4  }
0x14: {  	v3 =	vor.u32 v3, v4  }
0x15: {  	v4 =	vperm.xlane v3, v0;
	_ =	sdelay $0x1  }
0x16: {  	v3 =	vperm.xlane v3, v2;
	v4 =	vadd.s32 v1, v4;
	_ =	sdelay $0x1  }
0x17: {  	v3 =	vadd.s32 v1, v3;
	_ =	sdelay $0x2  }
0x18: {  	[tilespmem:s8], [sflag:$0x1] =	stream.indirect_vreg.gather [hbm4b:s1+s3], $0x80, v4, vm0, $0xb8;
	[tilespmem:$0x4880] =	vst v63  }
0x19: {  	_ = 	snop  }
0x1a: {  	[tilespmem:s9], [sflag:$0x1] =	stream.indirect_vreg.gather [hbm4b:s1+s3], $0x80, v3, vm0, $0xb8;
	[tilespmem:$0x4880] =	vst v63  }
0x1b: {  	v3 =	vld [tilespmem:$0x10];
	_ =	sdelay $0x4  }
0x1c: {  	v60 =	vshll.u32 v3, $0x1  }
0x1d: {  	v3 =	vand.u32 $0x7, v3;
	v4 =	vand.u32 $0xFFFFFFF0, v60  }
0x1e: {  	v3 =	vor.u32 v3, v4  }
0x1f: {  	v4 =	vperm.xlane v3, v0;
	_ =	sdelay $0x1  }
0x20: {  	v3 =	vperm.xlane v3, v2;
	v4 =	vadd.s32 v1, v4;
	_ =	sdelay $0x1  }
0x21: {  	v3 =	vadd.s32 v1, v3;
	_ =	sdelay $0x2  }
0x22: {  	[tilespmem:s10], [sflag:$0x1] =	stream.indirect_vreg.gather [hbm4b:s1+s3], $0x80, v4, vm0, $0xb8;
	[tilespmem:$0x4880] =	vst v63  }
0x23: {  	_ = 	snop  }
0x24: {  	[tilespmem:s11], [sflag:$0x1] =	stream.indirect_vreg.gather [hbm4b:s1+s3], $0x80, v3, vm0, $0xb8;
	[tilespmem:$0x4880] =	vst v63  }
0x25: {  	v3 =	vld [tilespmem:$0x20];
	_ =	sdelay $0x4  }
0x26: {  	v61 =	vshll.u32 v3, $0x1  }
0x27: {  	v3 =	vand.u32 $0x7, v3;
	v4 =	vand.u32 $0xFFFFFFF0, v61  }
0x28: {  	v3 =	vor.u32 v3, v4  }
0x29: {  	v4 =	vperm.xlane v3, v0;
	_ =	sdelay $0x1  }
0x2a: {  	v3 =	vperm.xlane v3, v2;
	v4 =	vadd.s32 v1, v4;
	_ =	sdelay $0x1  }
0x2b: {  	v3 =	vadd.s32 v1, v3;
	_ =	sdelay $0x2  }
0x2c: {  	[tilespmem:s12], [sflag:$0x1] =	stream.indirect_vreg.gather [hbm4b:s1+s3], $0x80, v4, vm0, $0xb8;
	[tilespmem:$0x4880] =	vst v63  }
0x2d: {  	_ = 	snop  }
0x2e: {  	[tilespmem:s13], [sflag:$0x1] =	stream.indirect_vreg.gather [hbm4b:s1+s3], $0x80, v3, vm0, $0xb8;
	[tilespmem:$0x4880] =	vst v63  }
0x2f: {  	v3 =	vld [tilespmem:$0x30];
	_ =	sdelay $0x4  }
0x30: {  	v62 =	vshll.u32 v3, $0x1  }
0x31: {  	v3 =	vand.u32 $0x7, v3;
	v4 =	vand.u32 $0xFFFFFFF0, v62  }
0x32: {  	v3 =	vor.u32 v3, v4  }
0x33: {  	v4 =	vperm.xlane v3, v0;
	_ =	sdelay $0x1  }
0x34: {  	v3 =	vperm.xlane v3, v2;
	v4 =	vadd.s32 v1, v4;
	_ =	sdelay $0x1  }
0x35: {  	v3 =	vadd.s32 v1, v3;
	_ =	sdelay $0x2  }
0x36: {  	[tilespmem:s14], [sflag:$0x1] =	stream.indirect_vreg.gather [hbm4b:s1+s3], $0x80, v4, vm0, $0xb8;
	[tilespmem:$0x4880] =	vst v63  }
0x37: {  	_ = 	snop  }
0x38: {  	[tilespmem:s15], [sflag:$0x1] =	stream.indirect_vreg.gather [hbm4b:s1+s3], $0x80, v3, vm0, $0xb8;
	[tilespmem:$0x4880] =	vst v63  }
0x39: {  	v3 =	vld.msk [tilespmem:$0x40], $0xff;
	_ =	sdelay $0x4  }
0x3a: {  	v63 =	vshll.u32 v3, $0x1  }
0x3b: {  	v3 =	vand.u32 $0x7, v3;
	v4 =	vand.u32 $0xFFFFFFF0, v63  }
0x3c: {  	v3 =	vor.u32 v3, v4  }
0x3d: {  	v3 =	vperm.xlane v3, v0;
	_ =	sdelay $0x1  }
0x3e: {  	v3 =	vadd.s32 v1, v3;
	_ =	sdelay $0x4  }
0x3f: {  	[tilespmem:s16], [sflag:$0x1] =	stream.indirect_vreg.gather [hbm4b:s1+s3], $0x80, v3, vm0, $0xb8;
	[tilespmem:$0x4880] =	vst v63  }
0x40: {  	_ =	swait.ge [sflag:s17], $0x4800  }
0x41: {  	p0 =	sne.s32 s6, $0x1;
	[sflag:s17] =	ssyncset.done $0x0  }
.Ltmp0:
0x42: {  	[sflag:s17] =	ssyncadd.s32 $0xFFFFB800;
	(pc) =	sbr.rel @p0 .LBB2_1-.Ltmp0, $4  }
0x43: {  	[hbm4b:s5+s3] =	stream.linear.scatter [tilespmem:s8], [sflag:$0x2], $0x4800, $0x38;
	[tilespmem:$0x4880] =	vst v63  }
0x44: {  	_ =	swait.ge [sflag:s7], $0x4800  }
0x45: {  	[sflag:s7] =	ssyncset.done $0x0  }
0x46: {  	s6 =	sadd.s32 $0xFFFFFFFF, s6;
	[sflag:s7] =	ssyncadd.s32 $0xFFFFB800  }
0x47: {  	_ =	sfence.sel $0x180000  }
0x48: {  	[bflag:$0x0] =	sbarrier.arrive $0xFFFF  }
0x49: {  	p0 =	sne.s32 s0, $0x0;
	_ =	strace $0x90000053  }
0x4a: {  	s0 =	sadd.s32 @!p0 $0x100000, s2;
	[bflag:$0x2] =	sbarrier.arrive $0xFFFF  }
0x4b: {  	[sflag:s0] =	ssyncadd.tile.s32 @!p0 $0x1;
	_ =	shalt  }
.Lfunc_end2:
_tile_overlayer_lowered:
.L_overlay_start_2:
0x4c: {  	(tag) =	ssettag $0x2  }
0x4d: {  	s0 =	rddreg [dreg:$0x0];
	s2 =	stileid.u32  }
0x4e: {  	s1 =	rddreg [dreg:$0x1];
	p0 =	sne.s32 s2, $0x0  }
0x4f: {  	s3 =	rddreg [dreg:$0x2];
	[bflag:$0x3] =	sbarrier.arrive $0xFFFF;
	s2 =	simm.s32 @!p0 $0x1C02  }
0x50: {  	[timem:s3], [sflag:s2] =	dma.local @!p0 [hbm:s0], s1  }
0x51: {  	s0 =	simm.s32 @!p0 $0x2  }
0x52: {  	_ =	swait.ge @!p0 [sflag:s0], s1  }
0x53: {  	s1 =	ssub.s32 @!p0 $0x0, s1;
	[sflag:s0] =	ssyncset.done @!p0 $0x0  }
0x54: {  	[sflag:s0] =	ssyncadd.s32 @!p0 s1  }
0x55: {  	[bflag:$0x3] =	sbarrier.arrive $0xFFFF  }
0x56: {  	_ =	shalt  }

// kernel: kernel.24.cloned.1.call-start
scs
__scs_entry_jumppad:
0x0: {  	(pc) =	sbr.rel $0x88, $3  }
0x1: {  	(tag) =	ssettag $0x0;
	lr =	simm.s32 $0x1  }
0x2: {  	[smem:$0x3F9F] =	sst lr;
	_ =	strace $0xD0000000  }
0x3: {  	_ = 	snop  }
0x4: {  	_ = 	snop  }
0x5: {  	_ = 	snop  }
0x6: {  	_ = 	snop  }
0x7: {  	_ = 	snop  }
__scs_overlays_trampoline_lowered:
0x8: {  	[smem:$0x3FAE] =	sst s0  }
0x9: {  	[smem:$0x3FAF] =	sst s1  }
0xa: {  	[smem:$0x3FB0] =	sst s2  }
0xb: {  	[smem:$0x3FB1] =	sst s3  }
0xc: {  	[smem:$0x3FB2] =	sst s4  }
0xd: {  	[smem:$0x3FB3] =	sst s5  }
0xe: {  	[smem:$0x3FB4] =	sst s6  }
0xf: {  	[smem:$0x3FB5] =	sst s7  }
0x10: {  	[smem:$0x3FB6] =	sst s8  }
0x11: {  	[smem:$0x3FB7] =	sst s9;
	s0 =	simm.s32 @!p0 $0x0  }
0x12: {  	s1 =	sld [smem:$0x3F9D];
	s0 =	simm.s32 @p0 $0x1  }
0x13: {  	[smem:$0x3FB8] =	sst s0;
	s0 =	simm.s32 @!p1 $0x0  }
0x14: {  	s2 =	sld [smem:$0x3F9C];
	s0 =	simm.s32 @p1 $0x1  }
0x15: {  	[smem:$0x3FB9] =	sst s0;
	s0 =	simm.s32 @!p2 $0x0  }
0x16: {  	s3 =	sld [smem:$0x3FDB];
	s0 =	simm.s32 @p2 $0x1  }
0x17: {  	s4 =	simm.s32 $0x1BF5;
	[smem:$0x3FBB] =	sst s0  }
0x18: {  	s0 =	sld [smem:$0x3F9E];
	_ =	swait.ge [sflag:s4], $0x0  }
0x19: {  	s7 =	sld [smem:$0x3F9F]  }
0x1a: {  	s8 =	sadd.s32 $0xFFFFE003, lr  }
0x1b: {  	s9 =	sadd.s32 $0xFFFFFEF7, lr;
	s5 =	simm.s32 $0xFFFFFFFF;
	p2 =	slt.u32 s8, $0xFFFFF086  }
0x1c: {  	p1 =	slt.u32 s9, $0xF7A;
	s5 =	simm.s32 @!p2 $0x0  }
0x1d: {  	s5 =	simm.s32 @p1 $0x1;
	p0 =	seq.s32 s7, s2  }
0x1e: {  	s7 =	smul.u32 @!p0 $0xF7A, s2;
	p2 =	seq.s32 @!p0 s5, $0x0  }
0x1f: {  	s9 =	smul.u32 $0xF7A, s1;
	s8 =	simm.s32 @!p0 $0x1BF5;
	p2 =	por !p2, p0  }
0x20: {  	[sflag:s8] =	ssyncset.s32 @!p0 $0xFFFFF086;
	s6 =	sadd.s32 @!p0 s3, s7;
	s7 =	simm.s32 @!p0 $0x108  }
0x21: {  	s3 =	sadd.s32 s3, s9;
	s6 =	sadd.s32 @!p0 $0x88, s6;
	s7 =	simm.s32 @p2 $0x1082  }
0x22: {  	[simem:s7], [sflag:s8] =	dma.local @!p0 [hbm:s6], $0xF7A  }
0x23: {  	s9 =	sor.u32 $0xD0000000, s2;
	s6 =	simm.s32 $0x108;
	_ =	swait.ge @!p0 [sflag:s8], $0x0  }
0x24: {  	s3 =	sadd.s32 $0x88, s3;
	s6 =	simm.s32 @!p1 $0x1082;
	[sflag:s4] =	ssyncset.s32 $0xFFFFF086  }
0x25: {  	[simem:s6], [sflag:s4] =	dma.local [hbm:s3], $0xF7A  }
0x26: {  	[smem:$0x3F9F] =	sst s1;
	(tag) =	ssettag s2;
	_ =	strace s9  }
0x27: {  	s1 =	sld [smem:$0x3FAF]  }
0x28: {  	s2 =	sld [smem:$0x3FB0]  }
0x29: {  	s4 =	sld [smem:$0x3FB2]  }
0x2a: {  	p0 =	seq.s32 s5, $0x0;
	s5 =	sld [smem:$0x3FB3]  }
0x2b: {  	s6 =	sld [smem:$0x3FB4]  }
0x2c: {  	s7 =	sld [smem:$0x3FB5]  }
0x2d: {  	s3 =	simm.s32 $0x108;
	s8 =	sld [smem:$0x3FB6]  }
0x2e: {  	s3 =	simm.s32 @!p0 $0x1082;
	s9 =	sld [smem:$0x3FB7]  }
0x2f: {  	lr =	sadd.s32 s0, s3;
	s0 =	sld [smem:$0x3FAE]  }
0x30: {  	s3 =	sld [smem:$0x3FB1]  }
0x31: {  	[smem:$0x3FBA] =	sst s10  }
0x32: {  	s10 =	sld [smem:$0x3FB8];
	_ =	sdelay $0x3  }
0x33: {  	p0 =	seq.s32 s10, $0x1;
	s10 =	sld [smem:$0x3FBA];
	_ =	sdelay $0x3  }
0x34: {  	[smem:$0x3FBA] =	sst s10  }
0x35: {  	s10 =	sld [smem:$0x3FB9];
	_ =	sdelay $0x3  }
0x36: {  	p1 =	seq.s32 s10, $0x1;
	s10 =	sld [smem:$0x3FBA];
	_ =	sdelay $0x3  }
0x37: {  	[smem:$0x3FBA] =	sst s10  }
0x38: {  	s10 =	sld [smem:$0x3FBB]  }
0x39: {  	_ = 	snop;
	(pc) =	sbr.ind lr, $3  }
0x3a: {  	_ = 	snop  }
0x3b: {  	_ = 	snop  }
0x3c: {  	p2 =	seq.s32 s10, $0x1;
	s10 =	sld [smem:$0x3FBA]  }
0x3d: {  	_ =	shalt  }
0x3e: {  	_ =	shalt  }
0x3f: {  	_ =	shalt  }
0x40: {  	_ =	shalt  }
0x41: {  	_ =	shalt  }
0x42: {  	_ =	shalt  }
0x43: {  	_ =	shalt  }
0x44: {  	_ =	shalt  }
0x45: {  	_ =	shalt  }
0x46: {  	_ =	shalt  }
0x47: {  	_ =	shalt  }
0x48: {  	_ =	shalt  }
0x49: {  	_ =	shalt  }
0x4a: {  	_ =	shalt  }
0x4b: {  	_ =	shalt  }
0x4c: {  	_ =	shalt  }
0x4d: {  	_ =	shalt  }
0x4e: {  	_ =	shalt  }
0x4f: {  	_ =	shalt  }
0x50: {  	_ =	shalt  }
0x51: {  	_ =	shalt  }
0x52: {  	_ =	shalt  }
0x53: {  	_ =	shalt  }
0x54: {  	_ =	shalt  }
0x55: {  	_ =	shalt  }
0x56: {  	_ =	shalt  }
0x57: {  	_ =	shalt  }
0x58: {  	_ =	shalt  }
0x59: {  	_ =	shalt  }
0x5a: {  	_ =	shalt  }
0x5b: {  	_ =	shalt  }
0x5c: {  	_ =	shalt  }
0x5d: {  	_ =	shalt  }
0x5e: {  	_ =	shalt  }
0x5f: {  	_ =	shalt  }
0x60: {  	_ =	shalt  }
0x61: {  	_ =	shalt  }
0x62: {  	_ =	shalt  }
0x63: {  	_ =	shalt  }
0x64: {  	_ =	shalt  }
0x65: {  	_ =	shalt  }
0x66: {  	_ =	shalt  }
0x67: {  	_ =	shalt  }
0x68: {  	_ =	shalt  }
0x69: {  	_ =	shalt  }
0x6a: {  	_ =	shalt  }
0x6b: {  	_ =	shalt  }
0x6c: {  	_ =	shalt  }
0x6d: {  	_ =	shalt  }
0x6e: {  	_ =	shalt  }
0x6f: {  	_ =	shalt  }
0x70: {  	_ =	shalt  }
0x71: {  	_ =	shalt  }
0x72: {  	_ =	shalt  }
0x73: {  	_ =	shalt  }
0x74: {  	_ =	shalt  }
0x75: {  	_ =	shalt  }
0x76: {  	_ =	shalt  }
0x77: {  	_ =	shalt  }
0x78: {  	_ =	shalt  }
0x79: {  	_ =	shalt  }
0x7a: {  	_ =	shalt  }
0x7b: {  	_ =	shalt  }
0x7c: {  	_ =	shalt  }
0x7d: {  	_ =	shalt  }
0x7e: {  	_ =	shalt  }
0x7f: {  	_ =	shalt  }
0x80: {  	_ =	shalt  }
0x81: {  	_ =	shalt  }
0x82: {  	_ =	shalt  }
0x83: {  	_ =	shalt  }
0x84: {  	_ =	shalt  }
0x85: {  	_ =	shalt  }
0x86: {  	_ =	shalt  }
0x87: {  	_ =	shalt  }
.Lfunc_end0:
.L_simem_size_0:
called_computation.4_lowered:
.L_overlay_start_0:
0x88: {  	s2 =	sld [smem:$0x3FD9]  }
0x89: {  	s3 =	sld [smem:$0x3FFE];
	_ =	sdelay $0x1  }
0x8a: {  	s1 =	srdreg.scid  }
0x8b: {  	s0 =	sand.u32 $0x1, s1  }
0x8c: {  	s16 =	sshll.u32 s0, $0xA;
	s2 =	sadd.s32 s3, s2  }
0x8d: {  	s2 =	sadd.s32 s2, s16  }
0x8e: {  	[smem:$0x3FC6] =	sst s2  }
0x8f: {  	_ = 	snop  }
0x90: {  	(tm) =	ssettm $0x1  }
0x91: {  	s17 =	sld [smem:$0x3FFB];
	_ =	sdelay $0x3  }
0x92: {  	_ =	strace s17  }
0x93: {  	s2 =	sld [smem:$0x3FFC];
	_ =	sdelay $0x3  }
0x94: {  	_ =	strace s2  }
0x95: {  	s2 =	sld [smem:$0x3FFD];
	_ =	sdelay $0x3  }
0x96: {  	_ =	strace s2  }
0x97: {  	_ =	strace $0x8FFFFFFF  }
0x98: {  	s18 =	sld [smem:$0x3FDB];
	_ =	sdelay $0x1  }
0x99: {  	s19 =	simm.s32 $_scs_section_size  }
0x9a: {  	s4 =	simm.s32 $_size__tile_overlayer_lowered;
	s5 =	simm.s32 $_tile_overlayer_lowered  }
0x9b: {  	s22 =	simm.s32 $0x1BFF;
	s21 =	sshll.u32 s5, $0x1;
	s2 =	sadd.s32 s19, s18  }
0x9c: {  	s6 =	simm.s32 $0x0;
	s20 =	sshll.u32 s4, $0x1;
	s4 =	sadd.s32 s21, s2  }
0x9d: {  	[timem:s6], [sflag:s22] =	dma.local [hbm:s4], s20  }
0x9e: {  	_ =	swait.ge [sflag:s22], s20  }
0x9f: {  	s3 =	ssub.s32 $0x0, s20;
	[sflag:s22] =	ssyncset.done $0x0  }
0xa0: {  	[sflag:s22] =	ssyncadd.s32 s3;
	_ =	sdelay $0x1  }
0xa1: {  	s23 =	simm.s32 $0x1B8B  }
0xa2: {  	_ =	swait.ge [sflag:s23], $0x1  }
0xa3: {  	[sflag:s23] =	ssyncset.done $0x0  }
0xa4: {  	s25 =	simm.s32 $0x1B8E;
	s24 =	sld [smem:$0x3FFE];
	[sflag:s23] =	ssyncadd.s32 $0xFFFFFFFF  }
0xa5: {  	s26 =	simm.s32 $execute0_lowered;
	[smem:$0x3FD2] =	sst s25  }
0xa6: {  	s4 =	sshll.u32 s26, $0x1;
	_ =	strace $0x8000004F;
	[dreg:$0x1] =	wrdreg $0xFFFFFFFF  }
0xa7: {  	s28 =	simm.s32 $_size_execute0_lowered;
	s2 =	sadd.s32 s2, s4;
	[dreg:$0x0] =	wrdreg $0x0  }
0xa8: {  	s4 =	sshll.u32 s28, $0x1;
	[dreg:$0x2] =	wrdreg s2  }
0xa9: {  	[dreg:$0x3] =	wrdreg s4  }
0xaa: {  	[dreg:$0x4] =	wrdreg $0xC0  }
0xab: {  	_ =	task [dreg:s6], $0x5FFFF  }
0xac: {  	[dreg:$0x1] =	wrdreg $0xFFFFFFFF  }
0xad: {  	[dreg:$0x0] =	wrdreg $0x60  }
0xae: {  	[dreg:$0x2] =	wrdreg s24  }
0xaf: {  	[dreg:$0x3] =	wrdreg $0xA800  }
0xb0: {  	[dreg:$0x4] =	wrdreg $0xA  }
0xb1: {  	_ =	task.clear_ibuf [dreg:s6], $0x5FFFF;
	_ =	strace $0x9000004F  }
0xb2: {  	s29 =	simm.s32 $0xA;
	_ =	strace $0x80000051  }
0xb3: {  	_ =	swait.ge [sflag:s29], $0x1  }
0xb4: {  	[sflag:s29] =	ssyncadd.s32 $0xFFFFFFFF  }
0xb5: {  	_ =	strace $0x90000051  }
0xb6: {  	_ =	sfence  }
0xb7: {  	s30 =	sld [smem:$0x0];
	_ =	sdelay $0x2  }
0xb8: {  	s31 =	sshll.u32 s1, $0xD;
	s1 =	sshrl.u32 s1, $0x2  }
0xb9: {  	s3 =	sand.u32 $0x4000, s31;
	s1 =	sadd.s32 s1, s30  }
0xba: {  	s0 =	sor.u32 s3, s0;
	s1 =	sshll.u32 s1, $0x11  }
0xbb: {  	s0 =	sor.u32 s1, s0  }
0xbc: {  	s0 =	sadd.s32 $0x8F2B, s0  }
0xbd: {  	[sflag:s0] =	ssyncadd.remote.s32 $0x1  }
0xbe: {  	_ =	sfence.sel $0xFFFF  }
0xbf: {  	[dreg:$0x0] =	wrdreg $0xFFFFFFFF;
	(pc) =	sbr.abs _section_cstart, $3  }
0xc0: {  	[dreg:$0x1] =	wrdreg $0xFFFFFFFF  }
0xc1: {  	_ =	task.clear_ibuf [dreg:s6], $0x2FFFF;
	_ =	strace $0x9FFFFFFF  }
0xc2: {  	(tm) =	ssettm $0x7FFFFFFF  }
0xc3: {  	_ =	shalt  }
tec
execute0_lowered:
.L_overlay_start_1:
0x0: {  	(tag) =	ssettag $0x1  }
0x1: {  	s3 =	rddreg [dreg:$0x0]  }
0x2: {  	s0 =	srdreg.scid;
	s14 =	stileid.u32  }
0x3: {  	s1 =	rddreg [dreg:$0x1];
	s2 =	simm.s32 $0x0;
	s11 =	simm.s32 $0x80  }
0x4: {  	s12 =	simm.s32 $0x100;
	s13 =	simm.s32 $0x180;
	s15 =	simm.s32 $0x48  }
0x5: {  	s16 =	simm.s32 $0x200;
	s4 =	sand.u32 $0x1, s0;
	s0 =	rddreg [dreg:$0x2]  }
0x6: {  	s18 =	simm.s32 $0x0;
	s5 =	sshll.u32 s14, $0x1;
	[smem:$0x7FF] =	sst s2  }
0x7: {  	s31 =	sshll.u32 s14, $0xB;
	p0 =	sne.s32 s14, $0x0;
	s5 =	sor.u32 s4, s5  }
0x8: {  	s14 =	simm.s32 $0x280;
	s6 =	ssub.s32 $0x2, s4;
	s5 =	smul.u32 $0x9, s5  }
0x9: {  	_ =	strace $0x80000050;
	s4 =	sshll.u32 s4, $0x4;
	s17 =	sshrl.u32 @!p0 s1, $0x3  }
0xa: {  	s7 =	sshrl.u32 s6, $0x1;
	s9 =	sadd.s32 s4, s3;
	s8 =	sadd.s32 s5, s3  }
0xb: {  	s10 =	ssub.s32 s6, s7;
	s7 =	sadd.s32 s31, s1;
	s3 =	sadd.s32 $0x1800, s8  }
0xc: {  	s4 =	sadd.s32 $0x13C00, s8;
	s5 =	sadd.s32 $0x26000, s8;
	s6 =	sadd.s32 $0x38400, s8  }
0xd: {  	v0 =	vimm.f32 $1.000000000e+00;
	v1 =	vimm.f32 $0.0e+00;
	s8 =	sadd.s32 $0x38600, s9;
	s9 =	smax.u32 s10, $0x1;
	s10 =	simm.s32 $0x1  }
.LBB2_1:
0xe: {  	[tilespmem:s2], [sflag:$0x1] =	stream.linear.gather [hbm4b:s3+s2], $0x48, $0x38;
	[tilespmem:$0x1280] =	vst v63  }
0xf: {  	_ =	swait.ge [sflag:s10], $0x48  }
0x10: {  	[sflag:s10] =	ssyncset.done $0x0  }
0x11: {  	[sflag:s10] =	ssyncadd.s32 $0xFFFFFFB8  }
0x12: {  	[tilespmem:s11], [sflag:$0x1] =	stream.linear.gather [hbm4b:s4+s2], $0x48, $0x38;
	[tilespmem:$0x1280] =	vst v63  }
0x13: {  	_ =	swait.ge [sflag:s10], $0x48  }
0x14: {  	[sflag:s10] =	ssyncset.done $0x0  }
0x15: {  	[sflag:s10] =	ssyncadd.s32 $0xFFFFFFB8  }
0x16: {  	[tilespmem:s12], [sflag:$0x1] =	stream.linear.gather [hbm4b:s5+s2], $0x48, $0x38;
	[tilespmem:$0x1280] =	vst v63  }
0x17: {  	_ =	swait.ge [sflag:s10], $0x48  }
0x18: {  	[sflag:s10] =	ssyncset.done $0x0  }
0x19: {  	[sflag:s10] =	ssyncadd.s32 $0xFFFFFFB8  }
0x1a: {  	[tilespmem:s13], [sflag:$0x1] =	stream.linear.gather [hbm4b:s6+s2], $0x48, $0x38;
	[tilespmem:$0x1280] =	vst v63  }
0x1b: {  	_ =	swait.ge [sflag:s10], $0x48  }
0x1c: {  	[sflag:s10] =	ssyncset.done $0x0  }
0x1d: {  	[sflag:s10] =	ssyncadd.s32 $0xFFFFFFB8  }
0x1e: {  	[tilespmem:$0x200] =	vst v0  }
0x1f: {  	[tilespmem:$0x210] =	vst v0  }
0x20: {  	[tilespmem:$0x220] =	vst v0  }
0x21: {  	[tilespmem:$0x230] =	vst v0  }
0x22: {  	s19 =	simm.s32 $0x40;
	s20 =	simm.s32 $0x0;
	[tilespmem:$0x240] =	vst v0  }
.LBB2_2:
0x23: {  	p1 =	sne.s32 s19, $0x1FC0;
	[tilespmem:s20+$0x280] =	vst v1;
	s20 =	smov.u32 s19;
	s19 =	sadd.s32 $0x40, s19  }
.Ltmp0:
0x24: {  	(pc) =	sbr.rel @p1 .LBB2_2-.Ltmp0, $2  }
0x25: {  	_ =	sdelay $0x2  }
0x26: {  	s20 =	sshra.s32 s20, $0x2  }
0x27: {  	[tilespmem:s20+$0x280] =	vst v1  }
0x28: {  	[spmem:s7] =	stream.linear.scatter [tilespmem:s14], [sflag:$0x1], $0x800, $0x38;
	[tilespmem:$0x1280] =	vst v63  }
0x29: {  	_ =	swait.ge [sflag:s10], $0x800  }
0x2a: {  	[sflag:s10] =	ssyncset.done $0x0  }
0x2b: {  	[sflag:s10] =	ssyncadd.s32 $0xFFFFF800  }
0x2c: {  	[bflag:$0x0] =	sbarrier.arrive $0xFFFF  }
0x2d: {  	[spmem:s1] =	stream.indirect.scatter.add.f32 [tilespmem:s16], [sflag:$0x1], $0x1, s2, s15, $0xb8;
	[tilespmem:$0x1280] =	vst v63  }
0x2e: {  	_ =	swait.ge [sflag:s10], $0x48  }
0x2f: {  	[sflag:s10] =	ssyncset.done $0x0  }
0x30: {  	[sflag:s10] =	ssyncadd.s32 $0xFFFFFFB8  }
0x31: {  	[spmem:s1] =	stream.indirect.scatter.add.f32 [tilespmem:s16], [sflag:$0x1], $0x1, s11, s15, $0xb8;
	[tilespmem:$0x1280] =	vst v63  }
0x32: {  	_ =	swait.ge [sflag:s10], $0x48  }
0x33: {  	[sflag:s10] =	ssyncset.done $0x0  }
0x34: {  	[sflag:s10] =	ssyncadd.s32 $0xFFFFFFB8  }
0x35: {  	[spmem:s1] =	stream.indirect.scatter.add.f32 [tilespmem:s16], [sflag:$0x1], $0x1, s12, s15, $0xb8;
	[tilespmem:$0x1280] =	vst v63  }
0x36: {  	_ =	swait.ge [sflag:s10], $0x48  }
0x37: {  	[sflag:s10] =	ssyncset.done $0x0  }
0x38: {  	[sflag:s10] =	ssyncadd.s32 $0xFFFFFFB8  }
0x39: {  	[spmem:s1] =	stream.indirect.scatter.add.f32 [tilespmem:s16], [sflag:$0x1], $0x1, s13, s15, $0xb8;
	[tilespmem:$0x1280] =	vst v63  }
0x3a: {  	s19 =	simm.s32 @!p0 $0x1;
	_ =	swait.ge [sflag:s10], $0x48  }
0x3b: {  	s20 =	simm.s32 @!p0 $0x20;
	s18 =	sadd.s32 $0x1, s18;
	[sflag:s10] =	ssyncset.done $0x0  }
0x3c: {  	s21 =	simm.s32 @!p0 $0x10;
	p1 =	sne.s32 s18, s9;
	[sflag:s10] =	ssyncadd.s32 $0xFFFFFFB8  }
.Ltmp1:
0x3d: {  	s22 =	simm.s32 @!p0 $0x1C01;
	[bflag:$0x0] =	sbarrier.arrive $0xFFFF;
	(pc) =	sbr.rel @p1 .LBB2_1-.Ltmp1, $4  }
0x3e: {  	[hbm:s8@s20], [sflag:s22] =	dma.strided @!p0 [spmem:s17@s21], $0x1000, s19, $0x10   }
0x3f: {  	_ =	swait.ge @!p0 [sflag:s19], $0x1000  }
0x40: {  	[sflag:s19] =	ssyncset.done @!p0 $0x0  }
0x41: {  	[sflag:s19] =	ssyncadd.s32 @!p0 $0xFFFFF000  }
0x42: {  	_ =	sfence.sel $0x180000  }
0x43: {  	[bflag:$0x0] =	sbarrier.arrive $0xFFFF  }
0x44: {  	_ =	strace $0x90000050  }
0x45: {  	s0 =	sadd.s32 @!p0 $0x100000, s0;
	[bflag:$0x2] =	sbarrier.arrive $0xFFFF  }
0x46: {  	[sflag:s0] =	ssyncadd.tile.s32 @!p0 $0x1;
	_ =	shalt  }
.Lfunc_end2:
_tile_overlayer_lowered:
.L_overlay_start_2:
0x47: {  	(tag) =	ssettag $0x2  }
0x48: {  	s0 =	rddreg [dreg:$0x0];
	s2 =	stileid.u32  }
0x49: {  	s1 =	rddreg [dreg:$0x1];
	p0 =	sne.s32 s2, $0x0  }
0x4a: {  	s3 =	rddreg [dreg:$0x2];
	[bflag:$0x3] =	sbarrier.arrive $0xFFFF;
	s2 =	simm.s32 @!p0 $0x1C01  }
0x4b: {  	[timem:s3], [sflag:s2] =	dma.local @!p0 [hbm:s0], s1  }
0x4c: {  	s0 =	simm.s32 @!p0 $0x1  }
0x4d: {  	_ =	swait.ge @!p0 [sflag:s0], s1  }
0x4e: {  	s1 =	ssub.s32 @!p0 $0x0, s1;
	[sflag:s0] =	ssyncset.done @!p0 $0x0  }
0x4f: {  	[sflag:s0] =	ssyncadd.s32 @!p0 s1  }
0x50: {  	[bflag:$0x3] =	sbarrier.arrive $0xFFFF  }
0x51: {  	_ =	shalt  }

</sc_bundles>
